<compile_context>
chip_gen: v7x
topology: tpu7x:2x2x1
jax: 0.10.2.dev20260603
libtpu: 0.0.44.dev20260713+nightly
codegen_flags: <defaults>
</compile_context>

<pallas_src>
import jax
import jax.numpy as jnp
from jax import lax
from jax.experimental import pallas as pl
from jax.experimental.pallas import tpu as pltpu
from jax.experimental.pallas import tpu_sc as plsc

ROWS = 64
COLS = 8192
K = 3
LANES = 16
NUM_CORES = 2
NUM_SUBCORES = 16
NUM_WORKERS = NUM_CORES * NUM_SUBCORES
ROWS_PER_WORKER = ROWS // NUM_WORKERS
CHUNKS = COLS // LANES
GROUP = 4
GROUPS = CHUNKS // GROUP
STREAMS = 4
PSTEPS = GROUPS // STREAMS


def _insert(acc, cvals, cidx):
    v1, i1, v2, i2, v3, i3 = acc
    gt1 = cvals > v1
    t = jnp.minimum(cvals, v1)
    it = jnp.where(gt1, i1, cidx)
    v1 = jnp.maximum(cvals, v1)
    i1 = jnp.where(gt1, cidx, i1)
    gt2 = t > v2
    t2 = jnp.minimum(t, v2)
    it2 = jnp.where(gt2, i2, it)
    v2 = jnp.maximum(t, v2)
    i2 = jnp.where(gt2, it, i2)
    gt3 = t2 > v3
    v3 = jnp.maximum(t2, v3)
    i3 = jnp.where(gt3, it2, i3)
    return v1, i1, v2, i2, v3, i3


def _insert_tie(acc, cvals, cidx):
    v1, i1, v2, i2, v3, i3 = acc
    gt1 = (cvals > v1) | ((cvals == v1) & (cidx < i1))
    t = jnp.where(gt1, v1, cvals)
    it = jnp.where(gt1, i1, cidx)
    nv1 = jnp.where(gt1, cvals, v1)
    i1 = jnp.where(gt1, cidx, i1)
    gt2 = (t > v2) | ((t == v2) & (it < i2))
    t2 = jnp.where(gt2, v2, t)
    it2 = jnp.where(gt2, i2, it)
    v2 = jnp.where(gt2, t, v2)
    i2 = jnp.where(gt2, it, i2)
    gt3 = (t2 > v3) | ((t2 == v3) & (it2 < i3))
    v3 = jnp.where(gt3, t2, v3)
    i3 = jnp.where(gt3, it2, i3)
    return nv1, i1, v2, i2, v3, i3


def _merge(a, b):
    for lv in range(3):
        a = _insert_tie(a, b[2 * lv], b[2 * lv + 1])
    return a


def _body(x_hbm, out_hbm, rows_v, resv_v, resi_v, sem):
    c = lax.axis_index("c")
    s = lax.axis_index("s")
    wid = s * NUM_CORES + c

    lane = lax.broadcasted_iota(jnp.int32, (LANES,), 0)
    neg = jnp.full((LANES,), -jnp.inf, jnp.float32)
    zero_i = jnp.zeros((LANES,), jnp.int32)
    big = jnp.full((LANES,), jnp.int32(2**30), jnp.int32)

    base = wid * ROWS_PER_WORKER
    cps = [
        pltpu.make_async_copy(
            x_hbm.at[base + r], rows_v.at[pl.ds(r * COLS, COLS)], sem)
        for r in range(ROWS_PER_WORKER)
    ]
    for cp in cps:
        cp.start()
    for cp in cps:
        cp.wait()

    lane16 = lane + 16
    lane32 = lane + 32
    lane48 = lane + 48

    def row_body(r, _):
        roff = r * COLS
        init = tuple((neg, zero_i, neg, zero_i, neg, zero_i)[i % 6]
                     for i in range(6 * STREAMS))

        def step(j, carry):
            accs = [carry[6 * q:6 * q + 6] for q in range(STREAMS)]
            out = []
            for q in range(STREAMS):
                off = (j * STREAMS + q) * (GROUP * LANES)
                ca = rows_v[pl.ds(roff + off, LANES)]
                cb = rows_v[pl.ds(roff + off + LANES, LANES)]
                cc = rows_v[pl.ds(roff + off + 2 * LANES, LANES)]
                cd = rows_v[pl.ds(roff + off + 3 * LANES, LANES)]
                ge1 = ca >= cb
                m1 = jnp.maximum(ca, cb)
                col1 = jnp.where(ge1, lane, lane16)
                ge2 = cc >= cd
                m2 = jnp.maximum(cc, cd)
                col2 = jnp.where(ge2, lane32, lane48)
                ge = m1 >= m2
                m = jnp.maximum(m1, m2)
                col = jnp.where(ge, col1, col2) + off
                out.extend(_insert(accs[q], m, col))
            return tuple(out)

        flat = lax.fori_loop(0, PSTEPS, step, init)
        accs = [flat[6 * q:6 * q + 6] for q in range(STREAMS)]
        while len(accs) > 1:
            accs = [_merge(accs[i], accs[i + 1])
                    for i in range(0, len(accs), 2)]
        v1, i1, v2, i2, v3, i3 = accs[0]

        out_v, out_i = [], []
        for _k in range(K):
            m = jnp.max(v1)
            sel = jnp.min(jnp.where(v1 == m, i1, big))
            out_v.append(m)
            out_i.append(sel)
            hit = (v1 == m) & (i1 == sel)
            v1 = jnp.where(hit, v2, v1)
            i1 = jnp.where(hit, i2, i1)
            v2 = jnp.where(hit, v3, v2)
            i2 = jnp.where(hit, i3, i2)
            v3 = jnp.where(hit, neg, v3)

        pc = [out_i[k] ^ mask for k in range(K) for mask in (16, 32, 48)]
        idxv = zero_i
        for n in reversed(range(len(pc))):
            idxv = jnp.where(lane == n, pc[n], idxv)
        g = plsc.load_gather(rows_v, [idxv + roff])
        zf = jnp.zeros((LANES,), jnp.float32)
        zi = jnp.zeros((LANES,), jnp.int32)
        acc6 = (zf + out_v[0], zi + out_i[0],
                zf + out_v[1], zi + out_i[1],
                zf + out_v[2], zi + out_i[2])
        for n in range(len(pc)):
            lval = jnp.max(jnp.where(lane == n, g, neg))
            acc6 = _insert_tie(acc6, zf + lval, zi + pc[n])
        w1, j1, w2, j2, w3, j3 = acc6

        resv = jnp.where(lane == 0, w1,
                         jnp.where(lane == 1, w2,
                                   jnp.where(lane == 2, w3, 0.0)))
        resi = jnp.where(lane == 0, j1,
                         jnp.where(lane == 1, j2,
                                   jnp.where(lane == 2, j3, 0)))
        resv_v[...] = plsc.bitcast(resv.astype(jnp.float32), jnp.int32)
        resi_v[...] = resi.astype(jnp.int32)
        pltpu.sync_copy(resv_v, out_hbm.at[base + r])
        pltpu.sync_copy(resi_v, out_hbm.at[ROWS + base + r])
        return 0

    lax.fori_loop(0, ROWS_PER_WORKER, row_body, 0)


@jax.jit
def _topk_sc(x):
    mesh = plsc.VectorSubcoreMesh(core_axis_name="c", subcore_axis_name="s")
    fn = pl.kernel(
        _body,
        out_type=jax.ShapeDtypeStruct((2 * ROWS, LANES), jnp.int32),
        mesh=mesh,
        scratch_types=[
            pltpu.VMEM((ROWS_PER_WORKER * COLS,), jnp.float32),
            pltpu.VMEM((LANES,), jnp.int32),
            pltpu.VMEM((LANES,), jnp.int32),
            pltpu.SemaphoreType.DMA,
        ],
        compiler_params=pltpu.CompilerParams(needs_layout_passes=False),
    )
    return fn(x)


def kernel(x):
    out = _topk_sc(x)
    vals = lax.bitcast_convert_type(out[:ROWS, :K], jnp.float32)
    idx = out[ROWS:, :K]
    return vals, idx

# --- scband reference (transcript-rebuilt; emitter-appended) ---
"""Pipeline reference for scband-top-kmodule-48954037240318 (READ-ONLY COPY).

The authoritative reference and input builder live on the scoring server;
editing this copy changes nothing except your own understanding.
"""

import jax, jax.numpy as jnp
import numpy as np

def setup_inputs(seed: int = 0) -> dict:
    key = jax.random.key(seed)
    x = jax.random.normal(key, (64, 8192), dtype=jnp.float32)
    return {"x": x}

def reference(x):
    # torch.topk(x, 3, dim=1) -> (values, indices); dim=1 is the last axis of a 2D tensor
    values, indices = jax.lax.top_k(x, 3)
    return values, indices

if __name__ == "__main__":
    import jax
    _d = setup_inputs()
    print(jax.jit(kernel)(*tuple(_d.values())))

</pallas_src>

<mosaic_0001>
#map = affine_map<(d0, d1) -> (0, 0)>
module attributes {stable_mosaic.version = 14 : i64} {
  func.func @_body(%arg0: i32, %arg1: i32, %arg2: memref<64x8192xf32, #tpu.memory_space<hbm>>, %arg3: memref<128x16xi32, #tpu.memory_space<hbm>>, %arg4: memref<16384xf32, #tpu.memory_space<vmem>>, %arg5: memref<16xi32, #tpu.memory_space<vmem>>, %arg6: memref<16xi32, #tpu.memory_space<vmem>>, %arg7: memref<!tpu.dma_semaphore, #tpu.memory_space<semaphore_mem>>) attributes {dimension_semantics = [#tpu.dimension_semantics<core_parallel>, #tpu.dimension_semantics<subcore_parallel>], iteration_bounds = array<i64: 2, 16>, scalar_prefetch = 0 : i64, scratch_operands = 4 : i64, tpu.core_type = #tpu.core_type<sc_vector_subcore>, window_params = [{transform_indices = #map}, {transform_indices = #map}]} {
    %mul3A = arith.constant 2 : i32
    %mul3A_0 = arith.muli %arg1, %mul3A : i32
    %add3A = arith.addi %mul3A_0, %arg0 : i32
    %iota3A = tpu.iota {dimensions = array<i32: 0>} : vector<16xi32>
    %broadcast_in_dim3A = arith.constant 0xFF800000 : f32
    %broadcast_in_dim3A_1 = vector.broadcast %broadcast_in_dim3A : f32 to vector<16xf32>
    %broadcast_in_dim3A_2 = arith.constant 0 : i32
    %broadcast_in_dim3A_3 = vector.broadcast %broadcast_in_dim3A_2 : i32 to vector<16xi32>
    %broadcast_in_dim3A_4 = arith.constant 1073741824 : i32
    %broadcast_in_dim3A_5 = vector.broadcast %broadcast_in_dim3A_4 : i32 to vector<16xi32>
    %mul3A_6 = arith.constant 2 : i32
    %mul3A_7 = arith.muli %add3A, %mul3A_6 : i32
    %add3A_8 = arith.constant 0 : i32
    %add3A_9 = arith.addi %mul3A_7, %add3A_8 : i32
    %add3A_10 = arith.constant 1 : i32
    %add3A_11 = arith.addi %mul3A_7, %add3A_10 : i32
    %dma_start3A = arith.constant 0 : i32
    %dma_start3A_12 = tpu.memref_slice %arg4[%dma_start3A] : memref<16384xf32, #tpu.memory_space<vmem>> -> memref<8192xf32, #tpu.memory_space<vmem>>
    %dma_start3A_13 = arith.constant 0 : i32
    %dma_start3A_14 = tpu.memref_slice %arg2[%add3A_9, %dma_start3A_13] : memref<64x8192xf32, #tpu.memory_space<hbm>> -> memref<1x8192xf32, #tpu.memory_space<hbm>>
    %dma_start3A_15 = tpu.memref_squeeze %dma_start3A_14 : memref<1x8192xf32, #tpu.memory_space<hbm>> -> memref<8192xf32, #tpu.memory_space<hbm>>
    %dma_start3A_16 = arith.constant 0 : i32
    %dma_start3A_17 = tpu.memref_slice %arg4[%dma_start3A_16] : memref<16384xf32, #tpu.memory_space<vmem>> -> memref<8192xf32, #tpu.memory_space<vmem>>
    %dma_start3A_18 = arith.constant 0 : i32
    %dma_start3A_19 = tpu.memref_slice %arg2[%add3A_9, %dma_start3A_18] : memref<64x8192xf32, #tpu.memory_space<hbm>> -> memref<1x8192xf32, #tpu.memory_space<hbm>>
    %dma_start3A_20 = tpu.memref_squeeze %dma_start3A_19 : memref<1x8192xf32, #tpu.memory_space<hbm>> -> memref<8192xf32, #tpu.memory_space<hbm>>
    tpu.enqueue_dma source(%dma_start3A_20 : memref<8192xf32, #tpu.memory_space<hbm>>) target(%dma_start3A_17 : memref<8192xf32, #tpu.memory_space<vmem>>) target_semaphore(%arg7 : memref<!tpu.dma_semaphore, #tpu.memory_space<semaphore_mem>>)
    %dma_start3A_21 = arith.constant 8192 : i32
    %dma_start3A_22 = tpu.memref_slice %arg4[%dma_start3A_21] : memref<16384xf32, #tpu.memory_space<vmem>> -> memref<8192xf32, #tpu.memory_space<vmem>>
    %dma_start3A_23 = arith.constant 0 : i32
    %dma_start3A_24 = tpu.memref_slice %arg2[%add3A_11, %dma_start3A_23] : memref<64x8192xf32, #tpu.memory_space<hbm>> -> memref<1x8192xf32, #tpu.memory_space<hbm>>
    %dma_start3A_25 = tpu.memref_squeeze %dma_start3A_24 : memref<1x8192xf32, #tpu.memory_space<hbm>> -> memref<8192xf32, #tpu.memory_space<hbm>>
    %dma_start3A_26 = arith.constant 8192 : i32
    %dma_start3A_27 = tpu.memref_slice %arg4[%dma_start3A_26] : memref<16384xf32, #tpu.memory_space<vmem>> -> memref<8192xf32, #tpu.memory_space<vmem>>
    %dma_start3A_28 = arith.constant 0 : i32
    %dma_start3A_29 = tpu.memref_slice %arg2[%add3A_11, %dma_start3A_28] : memref<64x8192xf32, #tpu.memory_space<hbm>> -> memref<1x8192xf32, #tpu.memory_space<hbm>>
    %dma_start3A_30 = tpu.memref_squeeze %dma_start3A_29 : memref<1x8192xf32, #tpu.memory_space<hbm>> -> memref<8192xf32, #tpu.memory_space<hbm>>
    tpu.enqueue_dma source(%dma_start3A_30 : memref<8192xf32, #tpu.memory_space<hbm>>) target(%dma_start3A_27 : memref<8192xf32, #tpu.memory_space<vmem>>) target_semaphore(%arg7 : memref<!tpu.dma_semaphore, #tpu.memory_space<semaphore_mem>>)
    %dma_wait3A = arith.constant 0 : i32
    %dma_wait3A_31 = tpu.memref_slice %arg4[%dma_wait3A] : memref<16384xf32, #tpu.memory_space<vmem>> -> memref<8192xf32, #tpu.memory_space<vmem>>
    %dma_wait3A_32 = arith.constant 0 : i32
    %dma_wait3A_33 = tpu.memref_slice %arg2[%add3A_9, %dma_wait3A_32] : memref<64x8192xf32, #tpu.memory_space<hbm>> -> memref<1x8192xf32, #tpu.memory_space<hbm>>
    %dma_wait3A_34 = tpu.memref_squeeze %dma_wait3A_33 : memref<1x8192xf32, #tpu.memory_space<hbm>> -> memref<8192xf32, #tpu.memory_space<hbm>>
    %dma_wait3A_35 = arith.constant 0 : i32
    %dma_wait3A_36 = tpu.memref_slice %arg4[%dma_wait3A_35] : memref<16384xf32, #tpu.memory_space<vmem>> -> memref<8192xf32, #tpu.memory_space<vmem>>
    %dma_wait3A_37 = arith.constant 0 : i32
    %dma_wait3A_38 = tpu.memref_slice %arg2[%add3A_9, %dma_wait3A_37] : memref<64x8192xf32, #tpu.memory_space<hbm>> -> memref<1x8192xf32, #tpu.memory_space<hbm>>
    %dma_wait3A_39 = tpu.memref_squeeze %dma_wait3A_38 : memref<1x8192xf32, #tpu.memory_space<hbm>> -> memref<8192xf32, #tpu.memory_space<hbm>>
    tpu.wait_dma2 semaphore(%arg7 : memref<!tpu.dma_semaphore, #tpu.memory_space<semaphore_mem>>) src(%dma_wait3A_39 : memref<8192xf32, #tpu.memory_space<hbm>>) dst(%dma_wait3A_36 : memref<8192xf32, #tpu.memory_space<vmem>>)
    %dma_wait3A_40 = arith.constant 8192 : i32
    %dma_wait3A_41 = tpu.memref_slice %arg4[%dma_wait3A_40] : memref<16384xf32, #tpu.memory_space<vmem>> -> memref<8192xf32, #tpu.memory_space<vmem>>
    %dma_wait3A_42 = arith.constant 0 : i32
    %dma_wait3A_43 = tpu.memref_slice %arg2[%add3A_11, %dma_wait3A_42] : memref<64x8192xf32, #tpu.memory_space<hbm>> -> memref<1x8192xf32, #tpu.memory_space<hbm>>
    %dma_wait3A_44 = tpu.memref_squeeze %dma_wait3A_43 : memref<1x8192xf32, #tpu.memory_space<hbm>> -> memref<8192xf32, #tpu.memory_space<hbm>>
    %dma_wait3A_45 = arith.constant 8192 : i32
    %dma_wait3A_46 = tpu.memref_slice %arg4[%dma_wait3A_45] : memref<16384xf32, #tpu.memory_space<vmem>> -> memref<8192xf32, #tpu.memory_space<vmem>>
    %dma_wait3A_47 = arith.constant 0 : i32
    %dma_wait3A_48 = tpu.memref_slice %arg2[%add3A_11, %dma_wait3A_47] : memref<64x8192xf32, #tpu.memory_space<hbm>> -> memref<1x8192xf32, #tpu.memory_space<hbm>>
    %dma_wait3A_49 = tpu.memref_squeeze %dma_wait3A_48 : memref<1x8192xf32, #tpu.memory_space<hbm>> -> memref<8192xf32, #tpu.memory_space<hbm>>
    tpu.wait_dma2 semaphore(%arg7 : memref<!tpu.dma_semaphore, #tpu.memory_space<semaphore_mem>>) src(%dma_wait3A_49 : memref<8192xf32, #tpu.memory_space<hbm>>) dst(%dma_wait3A_46 : memref<8192xf32, #tpu.memory_space<vmem>>)
    %add3A_50 = arith.constant 16 : i32
    %add3A_51 = vector.broadcast %add3A_50 : i32 to vector<16xi32>
    %add3A_52 = arith.addi %iota3A, %add3A_51 : vector<16xi32>
    %add3A_53 = arith.constant 32 : i32
    %add3A_54 = vector.broadcast %add3A_53 : i32 to vector<16xi32>
    %add3A_55 = arith.addi %iota3A, %add3A_54 : vector<16xi32>
    %add3A_56 = arith.constant 48 : i32
    %add3A_57 = vector.broadcast %add3A_56 : i32 to vector<16xi32>
    %add3A_58 = arith.addi %iota3A, %add3A_57 : vector<16xi32>
    %scan3A = arith.constant 0 : i32
    %scan3A_59 = arith.constant 0 : i32
    %scan3A_60 = arith.constant 2 : i32
    %scan3A_61 = arith.addi %scan3A_59, %scan3A_60 : i32
    %scan3A_62 = arith.constant 1 : i32
    %scan3A_63 = scf.for %scan3A_65 = %scan3A_59 to %scan3A_61 step %scan3A_62 iter_args(%scan3A_66 = %scan3A) -> (i32)  : i32 {
      %mul3A_67 = arith.constant 8192 : i32
      %mul3A_68 = arith.muli %scan3A_65, %mul3A_67 : i32
      %scan3A_69 = arith.constant 0 : i32
      %scan3A_70 = arith.constant 32 : i32
      %scan3A_71 = arith.addi %scan3A_69, %scan3A_70 : i32
      %scan3A_72 = arith.constant 1 : i32
      %scan3A_73:24 = scf.for %scan3A_815 = %scan3A_69 to %scan3A_71 step %scan3A_72 iter_args(%scan3A_816 = %broadcast_in_dim3A_1, %scan3A_817 = %broadcast_in_dim3A_3, %scan3A_818 = %broadcast_in_dim3A_1, %scan3A_819 = %broadcast_in_dim3A_3, %scan3A_820 = %broadcast_in_dim3A_1, %scan3A_821 = %broadcast_in_dim3A_3, %scan3A_822 = %broadcast_in_dim3A_1, %scan3A_823 = %broadcast_in_dim3A_3, %scan3A_824 = %broadcast_in_dim3A_1, %scan3A_825 = %broadcast_in_dim3A_3, %scan3A_826 = %broadcast_in_dim3A_1, %scan3A_827 = %broadcast_in_dim3A_3, %scan3A_828 = %broadcast_in_dim3A_1, %scan3A_829 = %broadcast_in_dim3A_3, %scan3A_830 = %broadcast_in_dim3A_1, %scan3A_831 = %broadcast_in_dim3A_3, %scan3A_832 = %broadcast_in_dim3A_1, %scan3A_833 = %broadcast_in_dim3A_3, %scan3A_834 = %broadcast_in_dim3A_1, %scan3A_835 = %broadcast_in_dim3A_3, %scan3A_836 = %broadcast_in_dim3A_1, %scan3A_837 = %broadcast_in_dim3A_3, %scan3A_838 = %broadcast_in_dim3A_1, %scan3A_839 = %broadcast_in_dim3A_3) -> (vector<16xf32>, vector<16xi32>, vector<16xf32>, vector<16xi32>, vector<16xf32>, vector<16xi32>, vector<16xf32>, vector<16xi32>, vector<16xf32>, vector<16xi32>, vector<16xf32>, vector<16xi32>, vector<16xf32>, vector<16xi32>, vector<16xf32>, vector<16xi32>, vector<16xf32>, vector<16xi32>, vector<16xf32>, vector<16xi32>, vector<16xf32>, vector<16xi32>, vector<16xf32>, vector<16xi32>)  : i32 {
        %mul3A_840 = arith.constant 4 : i32
        %mul3A_841 = arith.muli %scan3A_815, %mul3A_840 : i32
        %add3A_842 = arith.constant 0 : i32
        %add3A_843 = arith.addi %mul3A_841, %add3A_842 : i32
        %mul3A_844 = arith.constant 64 : i32
        %mul3A_845 = arith.muli %add3A_843, %mul3A_844 : i32
        %add3A_846 = arith.addi %mul3A_68, %mul3A_845 : i32
        %get3A = arith.index_cast %add3A_846 : i32 to index
        %get3A_847 = tpu.vector_load %arg4[%get3A] {strides = array<i32>} : memref<16384xf32, #tpu.memory_space<vmem>>, vector<16xf32>,
        %add3A_848 = arith.addi %mul3A_68, %mul3A_845 : i32
        %add3A_849 = arith.constant 16 : i32
        %add3A_850 = arith.addi %add3A_848, %add3A_849 : i32
        %get3A_851 = arith.index_cast %add3A_850 : i32 to index
        %get3A_852 = tpu.vector_load %arg4[%get3A_851] {strides = array<i32>} : memref<16384xf32, #tpu.memory_space<vmem>>, vector<16xf32>,
        %add3A_853 = arith.addi %mul3A_68, %mul3A_845 : i32
        %add3A_854 = arith.constant 32 : i32
        %add3A_855 = arith.addi %add3A_853, %add3A_854 : i32
        %get3A_856 = arith.index_cast %add3A_855 : i32 to index
        %get3A_857 = tpu.vector_load %arg4[%get3A_856] {strides = array<i32>} : memref<16384xf32, #tpu.memory_space<vmem>>, vector<16xf32>,
        %add3A_858 = arith.addi %mul3A_68, %mul3A_845 : i32
        %add3A_859 = arith.constant 48 : i32
        %add3A_860 = arith.addi %add3A_858, %add3A_859 : i32
        %get3A_861 = arith.index_cast %add3A_860 : i32 to index
        %get3A_862 = tpu.vector_load %arg4[%get3A_861] {strides = array<i32>} : memref<16384xf32, #tpu.memory_space<vmem>>, vector<16xf32>,
        %ge3A = arith.cmpf oge, %get3A_847, %get3A_852 : vector<16xf32>
        %max3A = arith.maximumf %get3A_847, %get3A_852 : vector<16xf32>
        %select_n3A_863 = arith.select %ge3A, %iota3A, %add3A_52 : vector<16xi1>, vector<16xi32>
        %ge3A_864 = arith.cmpf oge, %get3A_857, %get3A_862 : vector<16xf32>
        %max3A_865 = arith.maximumf %get3A_857, %get3A_862 : vector<16xf32>
        %select_n3A_866 = arith.select %ge3A_864, %add3A_55, %add3A_58 : vector<16xi1>, vector<16xi32>
        %ge3A_867 = arith.cmpf oge, %max3A, %max3A_865 : vector<16xf32>
        %max3A_868 = arith.maximumf %max3A, %max3A_865 : vector<16xf32>
        %select_n3A_869 = arith.select %ge3A_867, %select_n3A_863, %select_n3A_866 : vector<16xi1>, vector<16xi32>
        %add3A_870 = vector.broadcast %mul3A_845 : i32 to vector<16xi32>
        %add3A_871 = arith.addi %select_n3A_869, %add3A_870 : vector<16xi32>
        %gt3A_872 = arith.cmpf ogt, %max3A_868, %scan3A_816 : vector<16xf32>
        %min3A = arith.minimumf %max3A_868, %scan3A_816 : vector<16xf32>
        %select_n3A_873 = arith.select %gt3A_872, %scan3A_817, %add3A_871 : vector<16xi1>, vector<16xi32>
        %max3A_874 = arith.maximumf %max3A_868, %scan3A_816 : vector<16xf32>
        %select_n3A_875 = arith.select %gt3A_872, %add3A_871, %scan3A_817 : vector<16xi1>, vector<16xi32>
        %gt3A_876 = arith.cmpf ogt, %min3A, %scan3A_818 : vector<16xf32>
        %min3A_877 = arith.minimumf %min3A, %scan3A_818 : vector<16xf32>
        %select_n3A_878 = arith.select %gt3A_876, %scan3A_819, %select_n3A_873 : vector<16xi1>, vector<16xi32>
        %max3A_879 = arith.maximumf %min3A, %scan3A_818 : vector<16xf32>
        %select_n3A_880 = arith.select %gt3A_876, %select_n3A_873, %scan3A_819 : vector<16xi1>, vector<16xi32>
        %gt3A_881 = arith.cmpf ogt, %min3A_877, %scan3A_820 : vector<16xf32>
        %max3A_882 = arith.maximumf %min3A_877, %scan3A_820 : vector<16xf32>
        %select_n3A_883 = arith.select %gt3A_881, %select_n3A_878, %scan3A_821 : vector<16xi1>, vector<16xi32>
        %mul3A_884 = arith.constant 4 : i32
        %mul3A_885 = arith.muli %scan3A_815, %mul3A_884 : i32
        %add3A_886 = arith.constant 1 : i32
        %add3A_887 = arith.addi %mul3A_885, %add3A_886 : i32
        %mul3A_888 = arith.constant 64 : i32
        %mul3A_889 = arith.muli %add3A_887, %mul3A_888 : i32
        %add3A_890 = arith.addi %mul3A_68, %mul3A_889 : i32
        %get3A_891 = arith.index_cast %add3A_890 : i32 to index
        %get3A_892 = tpu.vector_load %arg4[%get3A_891] {strides = array<i32>} : memref<16384xf32, #tpu.memory_space<vmem>>, vector<16xf32>,
        %add3A_893 = arith.addi %mul3A_68, %mul3A_889 : i32
        %add3A_894 = arith.constant 16 : i32
        %add3A_895 = arith.addi %add3A_893, %add3A_894 : i32
        %get3A_896 = arith.index_cast %add3A_895 : i32 to index
        %get3A_897 = tpu.vector_load %arg4[%get3A_896] {strides = array<i32>} : memref<16384xf32, #tpu.memory_space<vmem>>, vector<16xf32>,
        %add3A_898 = arith.addi %mul3A_68, %mul3A_889 : i32
        %add3A_899 = arith.constant 32 : i32
        %add3A_900 = arith.addi %add3A_898, %add3A_899 : i32
        %get3A_901 = arith.index_cast %add3A_900 : i32 to index
        %get3A_902 = tpu.vector_load %arg4[%get3A_901] {strides = array<i32>} : memref<16384xf32, #tpu.memory_space<vmem>>, vector<16xf32>,
        %add3A_903 = arith.addi %mul3A_68, %mul3A_889 : i32
        %add3A_904 = arith.constant 48 : i32
        %add3A_905 = arith.addi %add3A_903, %add3A_904 : i32
        %get3A_906 = arith.index_cast %add3A_905 : i32 to index
        %get3A_907 = tpu.vector_load %arg4[%get3A_906] {strides = array<i32>} : memref<16384xf32, #tpu.memory_space<vmem>>, vector<16xf32>,
        %ge3A_908 = arith.cmpf oge, %get3A_892, %get3A_897 : vector<16xf32>
        %max3A_909 = arith.maximumf %get3A_892, %get3A_897 : vector<16xf32>
        %select_n3A_910 = arith.select %ge3A_908, %iota3A, %add3A_52 : vector<16xi1>, vector<16xi32>
        %ge3A_911 = arith.cmpf oge, %get3A_902, %get3A_907 : vector<16xf32>
        %max3A_912 = arith.maximumf %get3A_902, %get3A_907 : vector<16xf32>
        %select_n3A_913 = arith.select %ge3A_911, %add3A_55, %add3A_58 : vector<16xi1>, vector<16xi32>
        %ge3A_914 = arith.cmpf oge, %max3A_909, %max3A_912 : vector<16xf32>
        %max3A_915 = arith.maximumf %max3A_909, %max3A_912 : vector<16xf32>
        %select_n3A_916 = arith.select %ge3A_914, %select_n3A_910, %select_n3A_913 : vector<16xi1>, vector<16xi32>
        %add3A_917 = vector.broadcast %mul3A_889 : i32 to vector<16xi32>
        %add3A_918 = arith.addi %select_n3A_916, %add3A_917 : vector<16xi32>
        %gt3A_919 = arith.cmpf ogt, %max3A_915, %scan3A_822 : vector<16xf32>
        %min3A_920 = arith.minimumf %max3A_915, %scan3A_822 : vector<16xf32>
        %select_n3A_921 = arith.select %gt3A_919, %scan3A_823, %add3A_918 : vector<16xi1>, vector<16xi32>
        %max3A_922 = arith.maximumf %max3A_915, %scan3A_822 : vector<16xf32>
        %select_n3A_923 = arith.select %gt3A_919, %add3A_918, %scan3A_823 : vector<16xi1>, vector<16xi32>
        %gt3A_924 = arith.cmpf ogt, %min3A_920, %scan3A_824 : vector<16xf32>
        %min3A_925 = arith.minimumf %min3A_920, %scan3A_824 : vector<16xf32>
        %select_n3A_926 = arith.select %gt3A_924, %scan3A_825, %select_n3A_921 : vector<16xi1>, vector<16xi32>
        %max3A_927 = arith.maximumf %min3A_920, %scan3A_824 : vector<16xf32>
        %select_n3A_928 = arith.select %gt3A_924, %select_n3A_921, %scan3A_825 : vector<16xi1>, vector<16xi32>
        %gt3A_929 = arith.cmpf ogt, %min3A_925, %scan3A_826 : vector<16xf32>
        %max3A_930 = arith.maximumf %min3A_925, %scan3A_826 : vector<16xf32>
        %select_n3A_931 = arith.select %gt3A_929, %select_n3A_926, %scan3A_827 : vector<16xi1>, vector<16xi32>
        %mul3A_932 = arith.constant 4 : i32
        %mul3A_933 = arith.muli %scan3A_815, %mul3A_932 : i32
        %add3A_934 = arith.constant 2 : i32
        %add3A_935 = arith.addi %mul3A_933, %add3A_934 : i32
        %mul3A_936 = arith.constant 64 : i32
        %mul3A_937 = arith.muli %add3A_935, %mul3A_936 : i32
        %add3A_938 = arith.addi %mul3A_68, %mul3A_937 : i32
        %get3A_939 = arith.index_cast %add3A_938 : i32 to index
        %get3A_940 = tpu.vector_load %arg4[%get3A_939] {strides = array<i32>} : memref<16384xf32, #tpu.memory_space<vmem>>, vector<16xf32>,
        %add3A_941 = arith.addi %mul3A_68, %mul3A_937 : i32
        %add3A_942 = arith.constant 16 : i32
        %add3A_943 = arith.addi %add3A_941, %add3A_942 : i32
        %get3A_944 = arith.index_cast %add3A_943 : i32 to index
        %get3A_945 = tpu.vector_load %arg4[%get3A_944] {strides = array<i32>} : memref<16384xf32, #tpu.memory_space<vmem>>, vector<16xf32>,
        %add3A_946 = arith.addi %mul3A_68, %mul3A_937 : i32
        %add3A_947 = arith.constant 32 : i32
        %add3A_948 = arith.addi %add3A_946, %add3A_947 : i32
        %get3A_949 = arith.index_cast %add3A_948 : i32 to index
        %get3A_950 = tpu.vector_load %arg4[%get3A_949] {strides = array<i32>} : memref<16384xf32, #tpu.memory_space<vmem>>, vector<16xf32>,
        %add3A_951 = arith.addi %mul3A_68, %mul3A_937 : i32
        %add3A_952 = arith.constant 48 : i32
        %add3A_953 = arith.addi %add3A_951, %add3A_952 : i32
        %get3A_954 = arith.index_cast %add3A_953 : i32 to index
        %get3A_955 = tpu.vector_load %arg4[%get3A_954] {strides = array<i32>} : memref<16384xf32, #tpu.memory_space<vmem>>, vector<16xf32>,
        %ge3A_956 = arith.cmpf oge, %get3A_940, %get3A_945 : vector<16xf32>
        %max3A_957 = arith.maximumf %get3A_940, %get3A_945 : vector<16xf32>
        %select_n3A_958 = arith.select %ge3A_956, %iota3A, %add3A_52 : vector<16xi1>, vector<16xi32>
        %ge3A_959 = arith.cmpf oge, %get3A_950, %get3A_955 : vector<16xf32>
        %max3A_960 = arith.maximumf %get3A_950, %get3A_955 : vector<16xf32>
        %select_n3A_961 = arith.select %ge3A_959, %add3A_55, %add3A_58 : vector<16xi1>, vector<16xi32>
        %ge3A_962 = arith.cmpf oge, %max3A_957, %max3A_960 : vector<16xf32>
        %max3A_963 = arith.maximumf %max3A_957, %max3A_960 : vector<16xf32>
        %select_n3A_964 = arith.select %ge3A_962, %select_n3A_958, %select_n3A_961 : vector<16xi1>, vector<16xi32>
        %add3A_965 = vector.broadcast %mul3A_937 : i32 to vector<16xi32>
        %add3A_966 = arith.addi %select_n3A_964, %add3A_965 : vector<16xi32>
        %gt3A_967 = arith.cmpf ogt, %max3A_963, %scan3A_828 : vector<16xf32>
        %min3A_968 = arith.minimumf %max3A_963, %scan3A_828 : vector<16xf32>
        %select_n3A_969 = arith.select %gt3A_967, %scan3A_829, %add3A_966 : vector<16xi1>, vector<16xi32>
        %max3A_970 = arith.maximumf %max3A_963, %scan3A_828 : vector<16xf32>
        %select_n3A_971 = arith.select %gt3A_967, %add3A_966, %scan3A_829 : vector<16xi1>, vector<16xi32>
        %gt3A_972 = arith.cmpf ogt, %min3A_968, %scan3A_830 : vector<16xf32>
        %min3A_973 = arith.minimumf %min3A_968, %scan3A_830 : vector<16xf32>
        %select_n3A_974 = arith.select %gt3A_972, %scan3A_831, %select_n3A_969 : vector<16xi1>, vector<16xi32>
        %max3A_975 = arith.maximumf %min3A_968, %scan3A_830 : vector<16xf32>
        %select_n3A_976 = arith.select %gt3A_972, %select_n3A_969, %scan3A_831 : vector<16xi1>, vector<16xi32>
        %gt3A_977 = arith.cmpf ogt, %min3A_973, %scan3A_832 : vector<16xf32>
        %max3A_978 = arith.maximumf %min3A_973, %scan3A_832 : vector<16xf32>
        %select_n3A_979 = arith.select %gt3A_977, %select_n3A_974, %scan3A_833 : vector<16xi1>, vector<16xi32>
        %mul3A_980 = arith.constant 4 : i32
        %mul3A_981 = arith.muli %scan3A_815, %mul3A_980 : i32
        %add3A_982 = arith.constant 3 : i32
        %add3A_983 = arith.addi %mul3A_981, %add3A_982 : i32
        %mul3A_984 = arith.constant 64 : i32
        %mul3A_985 = arith.muli %add3A_983, %mul3A_984 : i32
        %add3A_986 = arith.addi %mul3A_68, %mul3A_985 : i32
        %get3A_987 = arith.index_cast %add3A_986 : i32 to index
        %get3A_988 = tpu.vector_load %arg4[%get3A_987] {strides = array<i32>} : memref<16384xf32, #tpu.memory_space<vmem>>, vector<16xf32>,
        %add3A_989 = arith.addi %mul3A_68, %mul3A_985 : i32
        %add3A_990 = arith.constant 16 : i32
        %add3A_991 = arith.addi %add3A_989, %add3A_990 : i32
        %get3A_992 = arith.index_cast %add3A_991 : i32 to index
        %get3A_993 = tpu.vector_load %arg4[%get3A_992] {strides = array<i32>} : memref<16384xf32, #tpu.memory_space<vmem>>, vector<16xf32>,
        %add3A_994 = arith.addi %mul3A_68, %mul3A_985 : i32
        %add3A_995 = arith.constant 32 : i32
        %add3A_996 = arith.addi %add3A_994, %add3A_995 : i32
        %get3A_997 = arith.index_cast %add3A_996 : i32 to index
        %get3A_998 = tpu.vector_load %arg4[%get3A_997] {strides = array<i32>} : memref<16384xf32, #tpu.memory_space<vmem>>, vector<16xf32>,
        %add3A_999 = arith.addi %mul3A_68, %mul3A_985 : i32
        %add3A_1000 = arith.constant 48 : i32
        %add3A_1001 = arith.addi %add3A_999, %add3A_1000 : i32
        %get3A_1002 = arith.index_cast %add3A_1001 : i32 to index
        %get3A_1003 = tpu.vector_load %arg4[%get3A_1002] {strides = array<i32>} : memref<16384xf32, #tpu.memory_space<vmem>>, vector<16xf32>,
        %ge3A_1004 = arith.cmpf oge, %get3A_988, %get3A_993 : vector<16xf32>
        %max3A_1005 = arith.maximumf %get3A_988, %get3A_993 : vector<16xf32>
        %select_n3A_1006 = arith.select %ge3A_1004, %iota3A, %add3A_52 : vector<16xi1>, vector<16xi32>
        %ge3A_1007 = arith.cmpf oge, %get3A_998, %get3A_1003 : vector<16xf32>
        %max3A_1008 = arith.maximumf %get3A_998, %get3A_1003 : vector<16xf32>
        %select_n3A_1009 = arith.select %ge3A_1007, %add3A_55, %add3A_58 : vector<16xi1>, vector<16xi32>
        %ge3A_1010 = arith.cmpf oge, %max3A_1005, %max3A_1008 : vector<16xf32>
        %max3A_1011 = arith.maximumf %max3A_1005, %max3A_1008 : vector<16xf32>
        %select_n3A_1012 = arith.select %ge3A_1010, %select_n3A_1006, %select_n3A_1009 : vector<16xi1>, vector<16xi32>
        %add3A_1013 = vector.broadcast %mul3A_985 : i32 to vector<16xi32>
        %add3A_1014 = arith.addi %select_n3A_1012, %add3A_1013 : vector<16xi32>
        %gt3A_1015 = arith.cmpf ogt, %max3A_1011, %scan3A_834 : vector<16xf32>
        %min3A_1016 = arith.minimumf %max3A_1011, %scan3A_834 : vector<16xf32>
        %select_n3A_1017 = arith.select %gt3A_1015, %scan3A_835, %add3A_1014 : vector<16xi1>, vector<16xi32>
        %max3A_1018 = arith.maximumf %max3A_1011, %scan3A_834 : vector<16xf32>
        %select_n3A_1019 = arith.select %gt3A_1015, %add3A_1014, %scan3A_835 : vector<16xi1>, vector<16xi32>
        %gt3A_1020 = arith.cmpf ogt, %min3A_1016, %scan3A_836 : vector<16xf32>
        %min3A_1021 = arith.minimumf %min3A_1016, %scan3A_836 : vector<16xf32>
        %select_n3A_1022 = arith.select %gt3A_1020, %scan3A_837, %select_n3A_1017 : vector<16xi1>, vector<16xi32>
        %max3A_1023 = arith.maximumf %min3A_1016, %scan3A_836 : vector<16xf32>
        %select_n3A_1024 = arith.select %gt3A_1020, %select_n3A_1017, %scan3A_837 : vector<16xi1>, vector<16xi32>
        %gt3A_1025 = arith.cmpf ogt, %min3A_1021, %scan3A_838 : vector<16xf32>
        %max3A_1026 = arith.maximumf %min3A_1021, %scan3A_838 : vector<16xf32>
        %select_n3A_1027 = arith.select %gt3A_1025, %select_n3A_1022, %scan3A_839 : vector<16xi1>, vector<16xi32>
        scf.yield %max3A_874, %select_n3A_875, %max3A_879, %select_n3A_880, %max3A_882, %select_n3A_883, %max3A_922, %select_n3A_923, %max3A_927, %select_n3A_928, %max3A_930, %select_n3A_931, %max3A_970, %select_n3A_971, %max3A_975, %select_n3A_976, %max3A_978, %select_n3A_979, %max3A_1018, %select_n3A_1019, %max3A_1023, %select_n3A_1024, %max3A_1026, %select_n3A_1027 : vector<16xf32>, vector<16xi32>, vector<16xf32>, vector<16xi32>, vector<16xf32>, vector<16xi32>, vector<16xf32>, vector<16xi32>, vector<16xf32>, vector<16xi32>, vector<16xf32>, vector<16xi32>, vector<16xf32>, vector<16xi32>, vector<16xf32>, vector<16xi32>, vector<16xf32>, vector<16xi32>, vector<16xf32>, vector<16xi32>, vector<16xf32>, vector<16xi32>, vector<16xf32>, vector<16xi32>
      }
      %scan3A_74 = arith.constant 32 : i32
      %gt3A = arith.cmpf ogt, %scan3A_73#6, %scan3A_73#0 : vector<16xf32>
      %eq3A = arith.cmpf oeq, %scan3A_73#6, %scan3A_73#0 : vector<16xf32>
      %lt3A = arith.cmpi slt, %scan3A_73#7, %scan3A_73#1 : vector<16xi32>
      %and3A = arith.andi %eq3A, %lt3A : vector<16xi1>
      %or3A = arith.ori %gt3A, %and3A : vector<16xi1>
      %select_n3A = arith.select %or3A, %scan3A_73#0, %scan3A_73#6 : vector<16xi1>, vector<16xf32>
      %select_n3A_75 = arith.select %or3A, %scan3A_73#1, %scan3A_73#7 : vector<16xi1>, vector<16xi32>
      %select_n3A_76 = arith.select %or3A, %scan3A_73#6, %scan3A_73#0 : vector<16xi1>, vector<16xf32>
      %select_n3A_77 = arith.select %or3A, %scan3A_73#7, %scan3A_73#1 : vector<16xi1>, vector<16xi32>
      %gt3A_78 = arith.cmpf ogt, %select_n3A, %scan3A_73#2 : vector<16xf32>
      %eq3A_79 = arith.cmpf oeq, %select_n3A, %scan3A_73#2 : vector<16xf32>
      %lt3A_80 = arith.cmpi slt, %select_n3A_75, %scan3A_73#3 : vector<16xi32>
      %and3A_81 = arith.andi %eq3A_79, %lt3A_80 : vector<16xi1>
      %or3A_82 = arith.ori %gt3A_78, %and3A_81 : vector<16xi1>
      %select_n3A_83 = arith.select %or3A_82, %scan3A_73#2, %select_n3A : vector<16xi1>, vector<16xf32>
      %select_n3A_84 = arith.select %or3A_82, %scan3A_73#3, %select_n3A_75 : vector<16xi1>, vector<16xi32>
      %select_n3A_85 = arith.select %or3A_82, %select_n3A, %scan3A_73#2 : vector<16xi1>, vector<16xf32>
      %select_n3A_86 = arith.select %or3A_82, %select_n3A_75, %scan3A_73#3 : vector<16xi1>, vector<16xi32>
      %gt3A_87 = arith.cmpf ogt, %select_n3A_83, %scan3A_73#4 : vector<16xf32>
      %eq3A_88 = arith.cmpf oeq, %select_n3A_83, %scan3A_73#4 : vector<16xf32>
      %lt3A_89 = arith.cmpi slt, %select_n3A_84, %scan3A_73#5 : vector<16xi32>
      %and3A_90 = arith.andi %eq3A_88, %lt3A_89 : vector<16xi1>
      %or3A_91 = arith.ori %gt3A_87, %and3A_90 : vector<16xi1>
      %select_n3A_92 = arith.select %or3A_91, %select_n3A_83, %scan3A_73#4 : vector<16xi1>, vector<16xf32>
      %select_n3A_93 = arith.select %or3A_91, %select_n3A_84, %scan3A_73#5 : vector<16xi1>, vector<16xi32>
      %gt3A_94 = arith.cmpf ogt, %scan3A_73#8, %select_n3A_76 : vector<16xf32>
      %eq3A_95 = arith.cmpf oeq, %scan3A_73#8, %select_n3A_76 : vector<16xf32>
      %lt3A_96 = arith.cmpi slt, %scan3A_73#9, %select_n3A_77 : vector<16xi32>
      %and3A_97 = arith.andi %eq3A_95, %lt3A_96 : vector<16xi1>
      %or3A_98 = arith.ori %gt3A_94, %and3A_97 : vector<16xi1>
      %select_n3A_99 = arith.select %or3A_98, %select_n3A_76, %scan3A_73#8 : vector<16xi1>, vector<16xf32>
      %select_n3A_100 = arith.select %or3A_98, %select_n3A_77, %scan3A_73#9 : vector<16xi1>, vector<16xi32>
      %select_n3A_101 = arith.select %or3A_98, %scan3A_73#8, %select_n3A_76 : vector<16xi1>, vector<16xf32>
      %select_n3A_102 = arith.select %or3A_98, %scan3A_73#9, %select_n3A_77 : vector<16xi1>, vector<16xi32>
      %gt3A_103 = arith.cmpf ogt, %select_n3A_99, %select_n3A_85 : vector<16xf32>
      %eq3A_104 = arith.cmpf oeq, %select_n3A_99, %select_n3A_85 : vector<16xf32>
      %lt3A_105 = arith.cmpi slt, %select_n3A_100, %select_n3A_86 : vector<16xi32>
      %and3A_106 = arith.andi %eq3A_104, %lt3A_105 : vector<16xi1>
      %or3A_107 = arith.ori %gt3A_103, %and3A_106 : vector<16xi1>
      %select_n3A_108 = arith.select %or3A_107, %select_n3A_85, %select_n3A_99 : vector<16xi1>, vector<16xf32>
      %select_n3A_109 = arith.select %or3A_107, %select_n3A_86, %select_n3A_100 : vector<16xi1>, vector<16xi32>
      %select_n3A_110 = arith.select %or3A_107, %select_n3A_99, %select_n3A_85 : vector<16xi1>, vector<16xf32>
      %select_n3A_111 = arith.select %or3A_107, %select_n3A_100, %select_n3A_86 : vector<16xi1>, vector<16xi32>
      %gt3A_112 = arith.cmpf ogt, %select_n3A_108, %select_n3A_92 : vector<16xf32>
      %eq3A_113 = arith.cmpf oeq, %select_n3A_108, %select_n3A_92 : vector<16xf32>
      %lt3A_114 = arith.cmpi slt, %select_n3A_109, %select_n3A_93 : vector<16xi32>
      %and3A_115 = arith.andi %eq3A_113, %lt3A_114 : vector<16xi1>
      %or3A_116 = arith.ori %gt3A_112, %and3A_115 : vector<16xi1>
      %select_n3A_117 = arith.select %or3A_116, %select_n3A_108, %select_n3A_92 : vector<16xi1>, vector<16xf32>
      %select_n3A_118 = arith.select %or3A_116, %select_n3A_109, %select_n3A_93 : vector<16xi1>, vector<16xi32>
      %gt3A_119 = arith.cmpf ogt, %scan3A_73#10, %select_n3A_101 : vector<16xf32>
      %eq3A_120 = arith.cmpf oeq, %scan3A_73#10, %select_n3A_101 : vector<16xf32>
      %lt3A_121 = arith.cmpi slt, %scan3A_73#11, %select_n3A_102 : vector<16xi32>
      %and3A_122 = arith.andi %eq3A_120, %lt3A_121 : vector<16xi1>
      %or3A_123 = arith.ori %gt3A_119, %and3A_122 : vector<16xi1>
      %select_n3A_124 = arith.select %or3A_123, %select_n3A_101, %scan3A_73#10 : vector<16xi1>, vector<16xf32>
      %select_n3A_125 = arith.select %or3A_123, %select_n3A_102, %scan3A_73#11 : vector<16xi1>, vector<16xi32>
      %select_n3A_126 = arith.select %or3A_123, %scan3A_73#10, %select_n3A_101 : vector<16xi1>, vector<16xf32>
      %select_n3A_127 = arith.select %or3A_123, %scan3A_73#11, %select_n3A_102 : vector<16xi1>, vector<16xi32>
      %gt3A_128 = arith.cmpf ogt, %select_n3A_124, %select_n3A_110 : vector<16xf32>
      %eq3A_129 = arith.cmpf oeq, %select_n3A_124, %select_n3A_110 : vector<16xf32>
      %lt3A_130 = arith.cmpi slt, %select_n3A_125, %select_n3A_111 : vector<16xi32>
      %and3A_131 = arith.andi %eq3A_129, %lt3A_130 : vector<16xi1>
      %or3A_132 = arith.ori %gt3A_128, %and3A_131 : vector<16xi1>
      %select_n3A_133 = arith.select %or3A_132, %select_n3A_110, %select_n3A_124 : vector<16xi1>, vector<16xf32>
      %select_n3A_134 = arith.select %or3A_132, %select_n3A_111, %select_n3A_125 : vector<16xi1>, vector<16xi32>
      %select_n3A_135 = arith.select %or3A_132, %select_n3A_124, %select_n3A_110 : vector<16xi1>, vector<16xf32>
      %select_n3A_136 = arith.select %or3A_132, %select_n3A_125, %select_n3A_111 : vector<16xi1>, vector<16xi32>
      %gt3A_137 = arith.cmpf ogt, %select_n3A_133, %select_n3A_117 : vector<16xf32>
      %eq3A_138 = arith.cmpf oeq, %select_n3A_133, %select_n3A_117 : vector<16xf32>
      %lt3A_139 = arith.cmpi slt, %select_n3A_134, %select_n3A_118 : vector<16xi32>
      %and3A_140 = arith.andi %eq3A_138, %lt3A_139 : vector<16xi1>
      %or3A_141 = arith.ori %gt3A_137, %and3A_140 : vector<16xi1>
      %select_n3A_142 = arith.select %or3A_141, %select_n3A_133, %select_n3A_117 : vector<16xi1>, vector<16xf32>
      %select_n3A_143 = arith.select %or3A_141, %select_n3A_134, %select_n3A_118 : vector<16xi1>, vector<16xi32>
      %gt3A_144 = arith.cmpf ogt, %scan3A_73#18, %scan3A_73#12 : vector<16xf32>
      %eq3A_145 = arith.cmpf oeq, %scan3A_73#18, %scan3A_73#12 : vector<16xf32>
      %lt3A_146 = arith.cmpi slt, %scan3A_73#19, %scan3A_73#13 : vector<16xi32>
      %and3A_147 = arith.andi %eq3A_145, %lt3A_146 : vector<16xi1>
      %or3A_148 = arith.ori %gt3A_144, %and3A_147 : vector<16xi1>
      %select_n3A_149 = arith.select %or3A_148, %scan3A_73#12, %scan3A_73#18 : vector<16xi1>, vector<16xf32>
      %select_n3A_150 = arith.select %or3A_148, %scan3A_73#13, %scan3A_73#19 : vector<16xi1>, vector<16xi32>
      %select_n3A_151 = arith.select %or3A_148, %scan3A_73#18, %scan3A_73#12 : vector<16xi1>, vector<16xf32>
      %select_n3A_152 = arith.select %or3A_148, %scan3A_73#19, %scan3A_73#13 : vector<16xi1>, vector<16xi32>
      %gt3A_153 = arith.cmpf ogt, %select_n3A_149, %scan3A_73#14 : vector<16xf32>
      %eq3A_154 = arith.cmpf oeq, %select_n3A_149, %scan3A_73#14 : vector<16xf32>
      %lt3A_155 = arith.cmpi slt, %select_n3A_150, %scan3A_73#15 : vector<16xi32>
      %and3A_156 = arith.andi %eq3A_154, %lt3A_155 : vector<16xi1>
      %or3A_157 = arith.ori %gt3A_153, %and3A_156 : vector<16xi1>
      %select_n3A_158 = arith.select %or3A_157, %scan3A_73#14, %select_n3A_149 : vector<16xi1>, vector<16xf32>
      %select_n3A_159 = arith.select %or3A_157, %scan3A_73#15, %select_n3A_150 : vector<16xi1>, vector<16xi32>
      %select_n3A_160 = arith.select %or3A_157, %select_n3A_149, %scan3A_73#14 : vector<16xi1>, vector<16xf32>
      %select_n3A_161 = arith.select %or3A_157, %select_n3A_150, %scan3A_73#15 : vector<16xi1>, vector<16xi32>
      %gt3A_162 = arith.cmpf ogt, %select_n3A_158, %scan3A_73#16 : vector<16xf32>
      %eq3A_163 = arith.cmpf oeq, %select_n3A_158, %scan3A_73#16 : vector<16xf32>
      %lt3A_164 = arith.cmpi slt, %select_n3A_159, %scan3A_73#17 : vector<16xi32>
      %and3A_165 = arith.andi %eq3A_163, %lt3A_164 : vector<16xi1>
      %or3A_166 = arith.ori %gt3A_162, %and3A_165 : vector<16xi1>
      %select_n3A_167 = arith.select %or3A_166, %select_n3A_158, %scan3A_73#16 : vector<16xi1>, vector<16xf32>
      %select_n3A_168 = arith.select %or3A_166, %select_n3A_159, %scan3A_73#17 : vector<16xi1>, vector<16xi32>
      %gt3A_169 = arith.cmpf ogt, %scan3A_73#20, %select_n3A_151 : vector<16xf32>
      %eq3A_170 = arith.cmpf oeq, %scan3A_73#20, %select_n3A_151 : vector<16xf32>
      %lt3A_171 = arith.cmpi slt, %scan3A_73#21, %select_n3A_152 : vector<16xi32>
      %and3A_172 = arith.andi %eq3A_170, %lt3A_171 : vector<16xi1>
      %or3A_173 = arith.ori %gt3A_169, %and3A_172 : vector<16xi1>
      %select_n3A_174 = arith.select %or3A_173, %select_n3A_151, %scan3A_73#20 : vector<16xi1>, vector<16xf32>
      %select_n3A_175 = arith.select %or3A_173, %select_n3A_152, %scan3A_73#21 : vector<16xi1>, vector<16xi32>
      %select_n3A_176 = arith.select %or3A_173, %scan3A_73#20, %select_n3A_151 : vector<16xi1>, vector<16xf32>
      %select_n3A_177 = arith.select %or3A_173, %scan3A_73#21, %select_n3A_152 : vector<16xi1>, vector<16xi32>
      %gt3A_178 = arith.cmpf ogt, %select_n3A_174, %select_n3A_160 : vector<16xf32>
      %eq3A_179 = arith.cmpf oeq, %select_n3A_174, %select_n3A_160 : vector<16xf32>
      %lt3A_180 = arith.cmpi slt, %select_n3A_175, %select_n3A_161 : vector<16xi32>
      %and3A_181 = arith.andi %eq3A_179, %lt3A_180 : vector<16xi1>
      %or3A_182 = arith.ori %gt3A_178, %and3A_181 : vector<16xi1>
      %select_n3A_183 = arith.select %or3A_182, %select_n3A_160, %select_n3A_174 : vector<16xi1>, vector<16xf32>
      %select_n3A_184 = arith.select %or3A_182, %select_n3A_161, %select_n3A_175 : vector<16xi1>, vector<16xi32>
      %select_n3A_185 = arith.select %or3A_182, %select_n3A_174, %select_n3A_160 : vector<16xi1>, vector<16xf32>
      %select_n3A_186 = arith.select %or3A_182, %select_n3A_175, %select_n3A_161 : vector<16xi1>, vector<16xi32>
      %gt3A_187 = arith.cmpf ogt, %select_n3A_183, %select_n3A_167 : vector<16xf32>
      %eq3A_188 = arith.cmpf oeq, %select_n3A_183, %select_n3A_167 : vector<16xf32>
      %lt3A_189 = arith.cmpi slt, %select_n3A_184, %select_n3A_168 : vector<16xi32>
      %and3A_190 = arith.andi %eq3A_188, %lt3A_189 : vector<16xi1>
      %or3A_191 = arith.ori %gt3A_187, %and3A_190 : vector<16xi1>
      %select_n3A_192 = arith.select %or3A_191, %select_n3A_183, %select_n3A_167 : vector<16xi1>, vector<16xf32>
      %select_n3A_193 = arith.select %or3A_191, %select_n3A_184, %select_n3A_168 : vector<16xi1>, vector<16xi32>
      %gt3A_194 = arith.cmpf ogt, %scan3A_73#22, %select_n3A_176 : vector<16xf32>
      %eq3A_195 = arith.cmpf oeq, %scan3A_73#22, %select_n3A_176 : vector<16xf32>
      %lt3A_196 = arith.cmpi slt, %scan3A_73#23, %select_n3A_177 : vector<16xi32>
      %and3A_197 = arith.andi %eq3A_195, %lt3A_196 : vector<16xi1>
      %or3A_198 = arith.ori %gt3A_194, %and3A_197 : vector<16xi1>
      %select_n3A_199 = arith.select %or3A_198, %select_n3A_176, %scan3A_73#22 : vector<16xi1>, vector<16xf32>
      %select_n3A_200 = arith.select %or3A_198, %select_n3A_177, %scan3A_73#23 : vector<16xi1>, vector<16xi32>
      %select_n3A_201 = arith.select %or3A_198, %scan3A_73#22, %select_n3A_176 : vector<16xi1>, vector<16xf32>
      %select_n3A_202 = arith.select %or3A_198, %scan3A_73#23, %select_n3A_177 : vector<16xi1>, vector<16xi32>
      %gt3A_203 = arith.cmpf ogt, %select_n3A_199, %select_n3A_185 : vector<16xf32>
      %eq3A_204 = arith.cmpf oeq, %select_n3A_199, %select_n3A_185 : vector<16xf32>
      %lt3A_205 = arith.cmpi slt, %select_n3A_200, %select_n3A_186 : vector<16xi32>
      %and3A_206 = arith.andi %eq3A_204, %lt3A_205 : vector<16xi1>
      %or3A_207 = arith.ori %gt3A_203, %and3A_206 : vector<16xi1>
      %select_n3A_208 = arith.select %or3A_207, %select_n3A_185, %select_n3A_199 : vector<16xi1>, vector<16xf32>
      %select_n3A_209 = arith.select %or3A_207, %select_n3A_186, %select_n3A_200 : vector<16xi1>, vector<16xi32>
      %select_n3A_210 = arith.select %or3A_207, %select_n3A_199, %select_n3A_185 : vector<16xi1>, vector<16xf32>
      %select_n3A_211 = arith.select %or3A_207, %select_n3A_200, %select_n3A_186 : vector<16xi1>, vector<16xi32>
      %gt3A_212 = arith.cmpf ogt, %select_n3A_208, %select_n3A_192 : vector<16xf32>
      %eq3A_213 = arith.cmpf oeq, %select_n3A_208, %select_n3A_192 : vector<16xf32>
      %lt3A_214 = arith.cmpi slt, %select_n3A_209, %select_n3A_193 : vector<16xi32>
      %and3A_215 = arith.andi %eq3A_213, %lt3A_214 : vector<16xi1>
      %or3A_216 = arith.ori %gt3A_212, %and3A_215 : vector<16xi1>
      %select_n3A_217 = arith.select %or3A_216, %select_n3A_208, %select_n3A_192 : vector<16xi1>, vector<16xf32>
      %select_n3A_218 = arith.select %or3A_216, %select_n3A_209, %select_n3A_193 : vector<16xi1>, vector<16xi32>
      %gt3A_219 = arith.cmpf ogt, %select_n3A_201, %select_n3A_126 : vector<16xf32>
      %eq3A_220 = arith.cmpf oeq, %select_n3A_201, %select_n3A_126 : vector<16xf32>
      %lt3A_221 = arith.cmpi slt, %select_n3A_202, %select_n3A_127 : vector<16xi32>
      %and3A_222 = arith.andi %eq3A_220, %lt3A_221 : vector<16xi1>
      %or3A_223 = arith.ori %gt3A_219, %and3A_222 : vector<16xi1>
      %select_n3A_224 = arith.select %or3A_223, %select_n3A_126, %select_n3A_201 : vector<16xi1>, vector<16xf32>
      %select_n3A_225 = arith.select %or3A_223, %select_n3A_127, %select_n3A_202 : vector<16xi1>, vector<16xi32>
      %select_n3A_226 = arith.select %or3A_223, %select_n3A_201, %select_n3A_126 : vector<16xi1>, vector<16xf32>
      %select_n3A_227 = arith.select %or3A_223, %select_n3A_202, %select_n3A_127 : vector<16xi1>, vector<16xi32>
      %gt3A_228 = arith.cmpf ogt, %select_n3A_224, %select_n3A_135 : vector<16xf32>
      %eq3A_229 = arith.cmpf oeq, %select_n3A_224, %select_n3A_135 : vector<16xf32>
      %lt3A_230 = arith.cmpi slt, %select_n3A_225, %select_n3A_136 : vector<16xi32>
      %and3A_231 = arith.andi %eq3A_229, %lt3A_230 : vector<16xi1>
      %or3A_232 = arith.ori %gt3A_228, %and3A_231 : vector<16xi1>
      %select_n3A_233 = arith.select %or3A_232, %select_n3A_135, %select_n3A_224 : vector<16xi1>, vector<16xf32>
      %select_n3A_234 = arith.select %or3A_232, %select_n3A_136, %select_n3A_225 : vector<16xi1>, vector<16xi32>
      %select_n3A_235 = arith.select %or3A_232, %select_n3A_224, %select_n3A_135 : vector<16xi1>, vector<16xf32>
      %select_n3A_236 = arith.select %or3A_232, %select_n3A_225, %select_n3A_136 : vector<16xi1>, vector<16xi32>
      %gt3A_237 = arith.cmpf ogt, %select_n3A_233, %select_n3A_142 : vector<16xf32>
      %eq3A_238 = arith.cmpf oeq, %select_n3A_233, %select_n3A_142 : vector<16xf32>
      %lt3A_239 = arith.cmpi slt, %select_n3A_234, %select_n3A_143 : vector<16xi32>
      %and3A_240 = arith.andi %eq3A_238, %lt3A_239 : vector<16xi1>
      %or3A_241 = arith.ori %gt3A_237, %and3A_240 : vector<16xi1>
      %select_n3A_242 = arith.select %or3A_241, %select_n3A_233, %select_n3A_142 : vector<16xi1>, vector<16xf32>
      %select_n3A_243 = arith.select %or3A_241, %select_n3A_234, %select_n3A_143 : vector<16xi1>, vector<16xi32>
      %gt3A_244 = arith.cmpf ogt, %select_n3A_210, %select_n3A_226 : vector<16xf32>
      %eq3A_245 = arith.cmpf oeq, %select_n3A_210, %select_n3A_226 : vector<16xf32>
      %lt3A_246 = arith.cmpi slt, %select_n3A_211, %select_n3A_227 : vector<16xi32>
      %and3A_247 = arith.andi %eq3A_245, %lt3A_246 : vector<16xi1>
      %or3A_248 = arith.ori %gt3A_244, %and3A_247 : vector<16xi1>
      %select_n3A_249 = arith.select %or3A_248, %select_n3A_226, %select_n3A_210 : vector<16xi1>, vector<16xf32>
      %select_n3A_250 = arith.select %or3A_248, %select_n3A_227, %select_n3A_211 : vector<16xi1>, vector<16xi32>
      %select_n3A_251 = arith.select %or3A_248, %select_n3A_210, %select_n3A_226 : vector<16xi1>, vector<16xf32>
      %select_n3A_252 = arith.select %or3A_248, %select_n3A_211, %select_n3A_227 : vector<16xi1>, vector<16xi32>
      %gt3A_253 = arith.cmpf ogt, %select_n3A_249, %select_n3A_235 : vector<16xf32>
      %eq3A_254 = arith.cmpf oeq, %select_n3A_249, %select_n3A_235 : vector<16xf32>
      %lt3A_255 = arith.cmpi slt, %select_n3A_250, %select_n3A_236 : vector<16xi32>
      %and3A_256 = arith.andi %eq3A_254, %lt3A_255 : vector<16xi1>
      %or3A_257 = arith.ori %gt3A_253, %and3A_256 : vector<16xi1>
      %select_n3A_258 = arith.select %or3A_257, %select_n3A_235, %select_n3A_249 : vector<16xi1>, vector<16xf32>
      %select_n3A_259 = arith.select %or3A_257, %select_n3A_236, %select_n3A_250 : vector<16xi1>, vector<16xi32>
      %select_n3A_260 = arith.select %or3A_257, %select_n3A_249, %select_n3A_235 : vector<16xi1>, vector<16xf32>
      %select_n3A_261 = arith.select %or3A_257, %select_n3A_250, %select_n3A_236 : vector<16xi1>, vector<16xi32>
      %gt3A_262 = arith.cmpf ogt, %select_n3A_258, %select_n3A_242 : vector<16xf32>
      %eq3A_263 = arith.cmpf oeq, %select_n3A_258, %select_n3A_242 : vector<16xf32>
      %lt3A_264 = arith.cmpi slt, %select_n3A_259, %select_n3A_243 : vector<16xi32>
      %and3A_265 = arith.andi %eq3A_263, %lt3A_264 : vector<16xi1>
      %or3A_266 = arith.ori %gt3A_262, %and3A_265 : vector<16xi1>
      %select_n3A_267 = arith.select %or3A_266, %select_n3A_258, %select_n3A_242 : vector<16xi1>, vector<16xf32>
      %select_n3A_268 = arith.select %or3A_266, %select_n3A_259, %select_n3A_243 : vector<16xi1>, vector<16xi32>
      %gt3A_269 = arith.cmpf ogt, %select_n3A_217, %select_n3A_251 : vector<16xf32>
      %eq3A_270 = arith.cmpf oeq, %select_n3A_217, %select_n3A_251 : vector<16xf32>
      %lt3A_271 = arith.cmpi slt, %select_n3A_218, %select_n3A_252 : vector<16xi32>
      %and3A_272 = arith.andi %eq3A_270, %lt3A_271 : vector<16xi1>
      %or3A_273 = arith.ori %gt3A_269, %and3A_272 : vector<16xi1>
      %select_n3A_274 = arith.select %or3A_273, %select_n3A_251, %select_n3A_217 : vector<16xi1>, vector<16xf32>
      %select_n3A_275 = arith.select %or3A_273, %select_n3A_252, %select_n3A_218 : vector<16xi1>, vector<16xi32>
      %select_n3A_276 = arith.select %or3A_273, %select_n3A_217, %select_n3A_251 : vector<16xi1>, vector<16xf32>
      %select_n3A_277 = arith.select %or3A_273, %select_n3A_218, %select_n3A_252 : vector<16xi1>, vector<16xi32>
      %gt3A_278 = arith.cmpf ogt, %select_n3A_274, %select_n3A_260 : vector<16xf32>
      %eq3A_279 = arith.cmpf oeq, %select_n3A_274, %select_n3A_260 : vector<16xf32>
      %lt3A_280 = arith.cmpi slt, %select_n3A_275, %select_n3A_261 : vector<16xi32>
      %and3A_281 = arith.andi %eq3A_279, %lt3A_280 : vector<16xi1>
      %or3A_282 = arith.ori %gt3A_278, %and3A_281 : vector<16xi1>
      %select_n3A_283 = arith.select %or3A_282, %select_n3A_260, %select_n3A_274 : vector<16xi1>, vector<16xf32>
      %select_n3A_284 = arith.select %or3A_282, %select_n3A_261, %select_n3A_275 : vector<16xi1>, vector<16xi32>
      %select_n3A_285 = arith.select %or3A_282, %select_n3A_274, %select_n3A_260 : vector<16xi1>, vector<16xf32>
      %select_n3A_286 = arith.select %or3A_282, %select_n3A_275, %select_n3A_261 : vector<16xi1>, vector<16xi32>
      %gt3A_287 = arith.cmpf ogt, %select_n3A_283, %select_n3A_267 : vector<16xf32>
      %eq3A_288 = arith.cmpf oeq, %select_n3A_283, %select_n3A_267 : vector<16xf32>
      %lt3A_289 = arith.cmpi slt, %select_n3A_284, %select_n3A_268 : vector<16xi32>
      %and3A_290 = arith.andi %eq3A_288, %lt3A_289 : vector<16xi1>
      %or3A_291 = arith.ori %gt3A_287, %and3A_290 : vector<16xi1>
      %select_n3A_292 = arith.select %or3A_291, %select_n3A_283, %select_n3A_267 : vector<16xi1>, vector<16xf32>
      %select_n3A_293 = arith.select %or3A_291, %select_n3A_284, %select_n3A_268 : vector<16xi1>, vector<16xi32>
      %reduce_max3A = arith.constant true
      %reduce_max3A_294 = vector.broadcast %reduce_max3A : i1 to vector<16xi1>
      %reduce_max3A_295 = tpu.scan <max>, %select_n3A_276 masked %reduce_max3A_294 : vector<16xf32>, vector<16xi1> -> vector<16xf32>
      %reduce_max3A_296 = vector.extract %reduce_max3A_295[15] : f32 from vector<16xf32>
      %eq3A_297 = vector.broadcast %reduce_max3A_296 : f32 to vector<16xf32>
      %eq3A_298 = arith.cmpf oeq, %select_n3A_276, %eq3A_297 : vector<16xf32>
      %select_n3A_299 = arith.select %eq3A_298, %select_n3A_277, %broadcast_in_dim3A_5 : vector<16xi1>, vector<16xi32>
      %reduce_min3A = arith.constant true
      %reduce_min3A_300 = vector.broadcast %reduce_min3A : i1 to vector<16xi1>
      %reduce_min3A_301 = arith.constant -2147483648 : i32
      %reduce_min3A_302 = vector.broadcast %reduce_min3A_301 : i32 to vector<16xi32>
      %reduce_min3A_303 = arith.xori %select_n3A_299, %reduce_min3A_302 : vector<16xi32>
      %reduce_min3A_304 = tpu.scan <min>, %reduce_min3A_303 masked %reduce_min3A_300 : vector<16xi32>, vector<16xi1> -> vector<16xi32>
      %reduce_min3A_305 = arith.xori %reduce_min3A_304, %reduce_min3A_302 : vector<16xi32>
      %reduce_min3A_306 = vector.extract %reduce_min3A_305[15] : i32 from vector<16xi32>
      %eq3A_307 = vector.broadcast %reduce_max3A_296 : f32 to vector<16xf32>
      %eq3A_308 = arith.cmpf oeq, %select_n3A_276, %eq3A_307 : vector<16xf32>
      %eq3A_309 = vector.broadcast %reduce_min3A_306 : i32 to vector<16xi32>
      %eq3A_310 = arith.cmpi eq, %select_n3A_277, %eq3A_309 : vector<16xi32>
      %and3A_311 = arith.andi %eq3A_308, %eq3A_310 : vector<16xi1>
      %select_n3A_312 = arith.select %and3A_311, %select_n3A_285, %select_n3A_276 : vector<16xi1>, vector<16xf32>
      %select_n3A_313 = arith.select %and3A_311, %select_n3A_286, %select_n3A_277 : vector<16xi1>, vector<16xi32>
      %select_n3A_314 = arith.select %and3A_311, %select_n3A_292, %select_n3A_285 : vector<16xi1>, vector<16xf32>
      %select_n3A_315 = arith.select %and3A_311, %select_n3A_293, %select_n3A_286 : vector<16xi1>, vector<16xi32>
      %select_n3A_316 = arith.select %and3A_311, %broadcast_in_dim3A_1, %select_n3A_292 : vector<16xi1>, vector<16xf32>
      %reduce_max3A_317 = arith.constant true
      %reduce_max3A_318 = vector.broadcast %reduce_max3A_317 : i1 to vector<16xi1>
      %reduce_max3A_319 = tpu.scan <max>, %select_n3A_312 masked %reduce_max3A_318 : vector<16xf32>, vector<16xi1> -> vector<16xf32>
      %reduce_max3A_320 = vector.extract %reduce_max3A_319[15] : f32 from vector<16xf32>
      %eq3A_321 = vector.broadcast %reduce_max3A_320 : f32 to vector<16xf32>
      %eq3A_322 = arith.cmpf oeq, %select_n3A_312, %eq3A_321 : vector<16xf32>
      %select_n3A_323 = arith.select %eq3A_322, %select_n3A_313, %broadcast_in_dim3A_5 : vector<16xi1>, vector<16xi32>
      %reduce_min3A_324 = arith.constant true
      %reduce_min3A_325 = vector.broadcast %reduce_min3A_324 : i1 to vector<16xi1>
      %reduce_min3A_326 = arith.constant -2147483648 : i32
      %reduce_min3A_327 = vector.broadcast %reduce_min3A_326 : i32 to vector<16xi32>
      %reduce_min3A_328 = arith.xori %select_n3A_323, %reduce_min3A_327 : vector<16xi32>
      %reduce_min3A_329 = tpu.scan <min>, %reduce_min3A_328 masked %reduce_min3A_325 : vector<16xi32>, vector<16xi1> -> vector<16xi32>
      %reduce_min3A_330 = arith.xori %reduce_min3A_329, %reduce_min3A_327 : vector<16xi32>
      %reduce_min3A_331 = vector.extract %reduce_min3A_330[15] : i32 from vector<16xi32>
      %eq3A_332 = vector.broadcast %reduce_max3A_320 : f32 to vector<16xf32>
      %eq3A_333 = arith.cmpf oeq, %select_n3A_312, %eq3A_332 : vector<16xf32>
      %eq3A_334 = vector.broadcast %reduce_min3A_331 : i32 to vector<16xi32>
      %eq3A_335 = arith.cmpi eq, %select_n3A_313, %eq3A_334 : vector<16xi32>
      %and3A_336 = arith.andi %eq3A_333, %eq3A_335 : vector<16xi1>
      %select_n3A_337 = arith.select %and3A_336, %select_n3A_314, %select_n3A_312 : vector<16xi1>, vector<16xf32>
      %select_n3A_338 = arith.select %and3A_336, %select_n3A_315, %select_n3A_313 : vector<16xi1>, vector<16xi32>
      %select_n3A_339 = arith.select %and3A_336, %select_n3A_316, %select_n3A_314 : vector<16xi1>, vector<16xf32>
      %select_n3A_340 = arith.select %and3A_336, %select_n3A_293, %select_n3A_315 : vector<16xi1>, vector<16xi32>
      %select_n3A_341 = arith.select %and3A_336, %broadcast_in_dim3A_1, %select_n3A_316 : vector<16xi1>, vector<16xf32>
      %reduce_max3A_342 = arith.constant true
      %reduce_max3A_343 = vector.broadcast %reduce_max3A_342 : i1 to vector<16xi1>
      %reduce_max3A_344 = tpu.scan <max>, %select_n3A_337 masked %reduce_max3A_343 : vector<16xf32>, vector<16xi1> -> vector<16xf32>
      %reduce_max3A_345 = vector.extract %reduce_max3A_344[15] : f32 from vector<16xf32>
      %eq3A_346 = vector.broadcast %reduce_max3A_345 : f32 to vector<16xf32>
      %eq3A_347 = arith.cmpf oeq, %select_n3A_337, %eq3A_346 : vector<16xf32>
      %select_n3A_348 = arith.select %eq3A_347, %select_n3A_338, %broadcast_in_dim3A_5 : vector<16xi1>, vector<16xi32>
      %reduce_min3A_349 = arith.constant true
      %reduce_min3A_350 = vector.broadcast %reduce_min3A_349 : i1 to vector<16xi1>
      %reduce_min3A_351 = arith.constant -2147483648 : i32
      %reduce_min3A_352 = vector.broadcast %reduce_min3A_351 : i32 to vector<16xi32>
      %reduce_min3A_353 = arith.xori %select_n3A_348, %reduce_min3A_352 : vector<16xi32>
      %reduce_min3A_354 = tpu.scan <min>, %reduce_min3A_353 masked %reduce_min3A_350 : vector<16xi32>, vector<16xi1> -> vector<16xi32>
      %reduce_min3A_355 = arith.xori %reduce_min3A_354, %reduce_min3A_352 : vector<16xi32>
      %reduce_min3A_356 = vector.extract %reduce_min3A_355[15] : i32 from vector<16xi32>
      %eq3A_357 = vector.broadcast %reduce_max3A_345 : f32 to vector<16xf32>
      %eq3A_358 = arith.cmpf oeq, %select_n3A_337, %eq3A_357 : vector<16xf32>
      %eq3A_359 = vector.broadcast %reduce_min3A_356 : i32 to vector<16xi32>
      %eq3A_360 = arith.cmpi eq, %select_n3A_338, %eq3A_359 : vector<16xi32>
      %and3A_361 = arith.andi %eq3A_358, %eq3A_360 : vector<16xi1>
      %select_n3A_362 = arith.select %and3A_361, %select_n3A_339, %select_n3A_337 : vector<16xi1>, vector<16xf32>
      %select_n3A_363 = arith.select %and3A_361, %select_n3A_340, %select_n3A_338 : vector<16xi1>, vector<16xi32>
      %select_n3A_364 = arith.select %and3A_361, %select_n3A_341, %select_n3A_339 : vector<16xi1>, vector<16xf32>
      %select_n3A_365 = arith.select %and3A_361, %select_n3A_293, %select_n3A_340 : vector<16xi1>, vector<16xi32>
      %select_n3A_366 = arith.select %and3A_361, %broadcast_in_dim3A_1, %select_n3A_341 : vector<16xi1>, vector<16xf32>
      %xor3A = arith.constant 16 : i32
      %xor3A_367 = arith.xori %reduce_min3A_306, %xor3A : i32
      %xor3A_368 = arith.constant 32 : i32
      %xor3A_369 = arith.xori %reduce_min3A_306, %xor3A_368 : i32
      %xor3A_370 = arith.constant 48 : i32
      %xor3A_371 = arith.xori %reduce_min3A_306, %xor3A_370 : i32
      %xor3A_372 = arith.constant 16 : i32
      %xor3A_373 = arith.xori %reduce_min3A_331, %xor3A_372 : i32
      %xor3A_374 = arith.constant 32 : i32
      %xor3A_375 = arith.xori %reduce_min3A_331, %xor3A_374 : i32
      %xor3A_376 = arith.constant 48 : i32
      %xor3A_377 = arith.xori %reduce_min3A_331, %xor3A_376 : i32
      %xor3A_378 = arith.constant 16 : i32
      %xor3A_379 = arith.xori %reduce_min3A_356, %xor3A_378 : i32
      %xor3A_380 = arith.constant 32 : i32
      %xor3A_381 = arith.xori %reduce_min3A_356, %xor3A_380 : i32
      %xor3A_382 = arith.constant 48 : i32
      %xor3A_383 = arith.xori %reduce_min3A_356, %xor3A_382 : i32
      %eq3A_384 = arith.constant 8 : i32
      %eq3A_385 = vector.broadcast %eq3A_384 : i32 to vector<16xi32>
      %eq3A_386 = arith.cmpi eq, %iota3A, %eq3A_385 : vector<16xi32>
      %broadcast_in_dim3A_387 = vector.broadcast %xor3A_383 : i32 to vector<16xi32>
      %select_n3A_388 = arith.select %eq3A_386, %broadcast_in_dim3A_387, %broadcast_in_dim3A_3 : vector<16xi1>, vector<16xi32>
      %eq3A_389 = arith.constant 7 : i32
      %eq3A_390 = vector.broadcast %eq3A_389 : i32 to vector<16xi32>
      %eq3A_391 = arith.cmpi eq, %iota3A, %eq3A_390 : vector<16xi32>
      %broadcast_in_dim3A_392 = vector.broadcast %xor3A_381 : i32 to vector<16xi32>
      %select_n3A_393 = arith.select %eq3A_391, %broadcast_in_dim3A_392, %select_n3A_388 : vector<16xi1>, vector<16xi32>
      %eq3A_394 = arith.constant 6 : i32
      %eq3A_395 = vector.broadcast %eq3A_394 : i32 to vector<16xi32>
      %eq3A_396 = arith.cmpi eq, %iota3A, %eq3A_395 : vector<16xi32>
      %broadcast_in_dim3A_397 = vector.broadcast %xor3A_379 : i32 to vector<16xi32>
      %select_n3A_398 = arith.select %eq3A_396, %broadcast_in_dim3A_397, %select_n3A_393 : vector<16xi1>, vector<16xi32>
      %eq3A_399 = arith.constant 5 : i32
      %eq3A_400 = vector.broadcast %eq3A_399 : i32 to vector<16xi32>
      %eq3A_401 = arith.cmpi eq, %iota3A, %eq3A_400 : vector<16xi32>
      %broadcast_in_dim3A_402 = vector.broadcast %xor3A_377 : i32 to vector<16xi32>
      %select_n3A_403 = arith.select %eq3A_401, %broadcast_in_dim3A_402, %select_n3A_398 : vector<16xi1>, vector<16xi32>
      %eq3A_404 = arith.constant 4 : i32
      %eq3A_405 = vector.broadcast %eq3A_404 : i32 to vector<16xi32>
      %eq3A_406 = arith.cmpi eq, %iota3A, %eq3A_405 : vector<16xi32>
      %broadcast_in_dim3A_407 = vector.broadcast %xor3A_375 : i32 to vector<16xi32>
      %select_n3A_408 = arith.select %eq3A_406, %broadcast_in_dim3A_407, %select_n3A_403 : vector<16xi1>, vector<16xi32>
      %eq3A_409 = arith.constant 3 : i32
      %eq3A_410 = vector.broadcast %eq3A_409 : i32 to vector<16xi32>
      %eq3A_411 = arith.cmpi eq, %iota3A, %eq3A_410 : vector<16xi32>
      %broadcast_in_dim3A_412 = vector.broadcast %xor3A_373 : i32 to vector<16xi32>
      %select_n3A_413 = arith.select %eq3A_411, %broadcast_in_dim3A_412, %select_n3A_408 : vector<16xi1>, vector<16xi32>
      %eq3A_414 = arith.constant 2 : i32
      %eq3A_415 = vector.broadcast %eq3A_414 : i32 to vector<16xi32>
      %eq3A_416 = arith.cmpi eq, %iota3A, %eq3A_415 : vector<16xi32>
      %broadcast_in_dim3A_417 = vector.broadcast %xor3A_371 : i32 to vector<16xi32>
      %select_n3A_418 = arith.select %eq3A_416, %broadcast_in_dim3A_417, %select_n3A_413 : vector<16xi1>, vector<16xi32>
      %eq3A_419 = arith.constant 1 : i32
      %eq3A_420 = vector.broadcast %eq3A_419 : i32 to vector<16xi32>
      %eq3A_421 = arith.cmpi eq, %iota3A, %eq3A_420 : vector<16xi32>
      %broadcast_in_dim3A_422 = vector.broadcast %xor3A_369 : i32 to vector<16xi32>
      %select_n3A_423 = arith.select %eq3A_421, %broadcast_in_dim3A_422, %select_n3A_418 : vector<16xi1>, vector<16xi32>
      %eq3A_424 = arith.constant 0 : i32
      %eq3A_425 = vector.broadcast %eq3A_424 : i32 to vector<16xi32>
      %eq3A_426 = arith.cmpi eq, %iota3A, %eq3A_425 : vector<16xi32>
      %broadcast_in_dim3A_427 = vector.broadcast %xor3A_367 : i32 to vector<16xi32>
      %select_n3A_428 = arith.select %eq3A_426, %broadcast_in_dim3A_427, %select_n3A_423 : vector<16xi1>, vector<16xi32>
      %add3A_429 = vector.broadcast %mul3A_68 : i32 to vector<16xi32>
      %add3A_430 = arith.addi %select_n3A_428, %add3A_429 : vector<16xi32>
      %gather3A = tpu.vector_load_idx %arg4[%add3A_430] : memref<16384xf32, #tpu.memory_space<vmem>>[vector<16xi32>], vector<16xf32>,
      %broadcast_in_dim3A_431 = arith.constant 0.000000e+00 : f32
      %broadcast_in_dim3A_432 = vector.broadcast %broadcast_in_dim3A_431 : f32 to vector<16xf32>
      %broadcast_in_dim3A_433 = arith.constant 0 : i32
      %broadcast_in_dim3A_434 = vector.broadcast %broadcast_in_dim3A_433 : i32 to vector<16xi32>
      %add3A_435 = vector.broadcast %reduce_max3A_296 : f32 to vector<16xf32>
      %add3A_436 = arith.addf %broadcast_in_dim3A_432, %add3A_435 : vector<16xf32>
      %add3A_437 = vector.broadcast %reduce_min3A_306 : i32 to vector<16xi32>
      %add3A_438 = arith.addi %broadcast_in_dim3A_434, %add3A_437 : vector<16xi32>
      %add3A_439 = vector.broadcast %reduce_max3A_320 : f32 to vector<16xf32>
      %add3A_440 = arith.addf %broadcast_in_dim3A_432, %add3A_439 : vector<16xf32>
      %add3A_441 = vector.broadcast %reduce_min3A_331 : i32 to vector<16xi32>
      %add3A_442 = arith.addi %broadcast_in_dim3A_434, %add3A_441 : vector<16xi32>
      %add3A_443 = vector.broadcast %reduce_max3A_345 : f32 to vector<16xf32>
      %add3A_444 = arith.addf %broadcast_in_dim3A_432, %add3A_443 : vector<16xf32>
      %add3A_445 = vector.broadcast %reduce_min3A_356 : i32 to vector<16xi32>
      %add3A_446 = arith.addi %broadcast_in_dim3A_434, %add3A_445 : vector<16xi32>
      %eq3A_447 = arith.constant 0 : i32
      %eq3A_448 = vector.broadcast %eq3A_447 : i32 to vector<16xi32>
      %eq3A_449 = arith.cmpi eq, %iota3A, %eq3A_448 : vector<16xi32>
      %select_n3A_450 = arith.select %eq3A_449, %gather3A, %broadcast_in_dim3A_1 : vector<16xi1>, vector<16xf32>
      %reduce_max3A_451 = arith.constant true
      %reduce_max3A_452 = vector.broadcast %reduce_max3A_451 : i1 to vector<16xi1>
      %reduce_max3A_453 = tpu.scan <max>, %select_n3A_450 masked %reduce_max3A_452 : vector<16xf32>, vector<16xi1> -> vector<16xf32>
      %reduce_max3A_454 = vector.extract %reduce_max3A_453[15] : f32 from vector<16xf32>
      %add3A_455 = vector.broadcast %reduce_max3A_454 : f32 to vector<16xf32>
      %add3A_456 = arith.addf %broadcast_in_dim3A_432, %add3A_455 : vector<16xf32>
      %add3A_457 = vector.broadcast %xor3A_367 : i32 to vector<16xi32>
      %add3A_458 = arith.addi %broadcast_in_dim3A_434, %add3A_457 : vector<16xi32>
      %gt3A_459 = arith.cmpf ogt, %add3A_456, %add3A_436 : vector<16xf32>
      %eq3A_460 = arith.cmpf oeq, %add3A_456, %add3A_436 : vector<16xf32>
      %lt3A_461 = arith.cmpi slt, %add3A_458, %add3A_438 : vector<16xi32>
      %and3A_462 = arith.andi %eq3A_460, %lt3A_461 : vector<16xi1>
      %or3A_463 = arith.ori %gt3A_459, %and3A_462 : vector<16xi1>
      %select_n3A_464 = arith.select %or3A_463, %add3A_436, %add3A_456 : vector<16xi1>, vector<16xf32>
      %select_n3A_465 = arith.select %or3A_463, %add3A_438, %add3A_458 : vector<16xi1>, vector<16xi32>
      %select_n3A_466 = arith.select %or3A_463, %add3A_456, %add3A_436 : vector<16xi1>, vector<16xf32>
      %select_n3A_467 = arith.select %or3A_463, %add3A_458, %add3A_438 : vector<16xi1>, vector<16xi32>
      %gt3A_468 = arith.cmpf ogt, %select_n3A_464, %add3A_440 : vector<16xf32>
      %eq3A_469 = arith.cmpf oeq, %select_n3A_464, %add3A_440 : vector<16xf32>
      %lt3A_470 = arith.cmpi slt, %select_n3A_465, %add3A_442 : vector<16xi32>
      %and3A_471 = arith.andi %eq3A_469, %lt3A_470 : vector<16xi1>
      %or3A_472 = arith.ori %gt3A_468, %and3A_471 : vector<16xi1>
      %select_n3A_473 = arith.select %or3A_472, %add3A_440, %select_n3A_464 : vector<16xi1>, vector<16xf32>
      %select_n3A_474 = arith.select %or3A_472, %add3A_442, %select_n3A_465 : vector<16xi1>, vector<16xi32>
      %select_n3A_475 = arith.select %or3A_472, %select_n3A_464, %add3A_440 : vector<16xi1>, vector<16xf32>
      %select_n3A_476 = arith.select %or3A_472, %select_n3A_465, %add3A_442 : vector<16xi1>, vector<16xi32>
      %gt3A_477 = arith.cmpf ogt, %select_n3A_473, %add3A_444 : vector<16xf32>
      %eq3A_478 = arith.cmpf oeq, %select_n3A_473, %add3A_444 : vector<16xf32>
      %lt3A_479 = arith.cmpi slt, %select_n3A_474, %add3A_446 : vector<16xi32>
      %and3A_480 = arith.andi %eq3A_478, %lt3A_479 : vector<16xi1>
      %or3A_481 = arith.ori %gt3A_477, %and3A_480 : vector<16xi1>
      %select_n3A_482 = arith.select %or3A_481, %select_n3A_473, %add3A_444 : vector<16xi1>, vector<16xf32>
      %select_n3A_483 = arith.select %or3A_481, %select_n3A_474, %add3A_446 : vector<16xi1>, vector<16xi32>
      %eq3A_484 = arith.constant 1 : i32
      %eq3A_485 = vector.broadcast %eq3A_484 : i32 to vector<16xi32>
      %eq3A_486 = arith.cmpi eq, %iota3A, %eq3A_485 : vector<16xi32>
      %select_n3A_487 = arith.select %eq3A_486, %gather3A, %broadcast_in_dim3A_1 : vector<16xi1>, vector<16xf32>
      %reduce_max3A_488 = arith.constant true
      %reduce_max3A_489 = vector.broadcast %reduce_max3A_488 : i1 to vector<16xi1>
      %reduce_max3A_490 = tpu.scan <max>, %select_n3A_487 masked %reduce_max3A_489 : vector<16xf32>, vector<16xi1> -> vector<16xf32>
      %reduce_max3A_491 = vector.extract %reduce_max3A_490[15] : f32 from vector<16xf32>
      %add3A_492 = vector.broadcast %reduce_max3A_491 : f32 to vector<16xf32>
      %add3A_493 = arith.addf %broadcast_in_dim3A_432, %add3A_492 : vector<16xf32>
      %add3A_494 = vector.broadcast %xor3A_369 : i32 to vector<16xi32>
      %add3A_495 = arith.addi %broadcast_in_dim3A_434, %add3A_494 : vector<16xi32>
      %gt3A_496 = arith.cmpf ogt, %add3A_493, %select_n3A_466 : vector<16xf32>
      %eq3A_497 = arith.cmpf oeq, %add3A_493, %select_n3A_466 : vector<16xf32>
      %lt3A_498 = arith.cmpi slt, %add3A_495, %select_n3A_467 : vector<16xi32>
      %and3A_499 = arith.andi %eq3A_497, %lt3A_498 : vector<16xi1>
      %or3A_500 = arith.ori %gt3A_496, %and3A_499 : vector<16xi1>
      %select_n3A_501 = arith.select %or3A_500, %select_n3A_466, %add3A_493 : vector<16xi1>, vector<16xf32>
      %select_n3A_502 = arith.select %or3A_500, %select_n3A_467, %add3A_495 : vector<16xi1>, vector<16xi32>
      %select_n3A_503 = arith.select %or3A_500, %add3A_493, %select_n3A_466 : vector<16xi1>, vector<16xf32>
      %select_n3A_504 = arith.select %or3A_500, %add3A_495, %select_n3A_467 : vector<16xi1>, vector<16xi32>
      %gt3A_505 = arith.cmpf ogt, %select_n3A_501, %select_n3A_475 : vector<16xf32>
      %eq3A_506 = arith.cmpf oeq, %select_n3A_501, %select_n3A_475 : vector<16xf32>
      %lt3A_507 = arith.cmpi slt, %select_n3A_502, %select_n3A_476 : vector<16xi32>
      %and3A_508 = arith.andi %eq3A_506, %lt3A_507 : vector<16xi1>
      %or3A_509 = arith.ori %gt3A_505, %and3A_508 : vector<16xi1>
      %select_n3A_510 = arith.select %or3A_509, %select_n3A_475, %select_n3A_501 : vector<16xi1>, vector<16xf32>
      %select_n3A_511 = arith.select %or3A_509, %select_n3A_476, %select_n3A_502 : vector<16xi1>, vector<16xi32>
      %select_n3A_512 = arith.select %or3A_509, %select_n3A_501, %select_n3A_475 : vector<16xi1>, vector<16xf32>
      %select_n3A_513 = arith.select %or3A_509, %select_n3A_502, %select_n3A_476 : vector<16xi1>, vector<16xi32>
      %gt3A_514 = arith.cmpf ogt, %select_n3A_510, %select_n3A_482 : vector<16xf32>
      %eq3A_515 = arith.cmpf oeq, %select_n3A_510, %select_n3A_482 : vector<16xf32>
      %lt3A_516 = arith.cmpi slt, %select_n3A_511, %select_n3A_483 : vector<16xi32>
      %and3A_517 = arith.andi %eq3A_515, %lt3A_516 : vector<16xi1>
      %or3A_518 = arith.ori %gt3A_514, %and3A_517 : vector<16xi1>
      %select_n3A_519 = arith.select %or3A_518, %select_n3A_510, %select_n3A_482 : vector<16xi1>, vector<16xf32>
      %select_n3A_520 = arith.select %or3A_518, %select_n3A_511, %select_n3A_483 : vector<16xi1>, vector<16xi32>
      %eq3A_521 = arith.constant 2 : i32
      %eq3A_522 = vector.broadcast %eq3A_521 : i32 to vector<16xi32>
      %eq3A_523 = arith.cmpi eq, %iota3A, %eq3A_522 : vector<16xi32>
      %select_n3A_524 = arith.select %eq3A_523, %gather3A, %broadcast_in_dim3A_1 : vector<16xi1>, vector<16xf32>
      %reduce_max3A_525 = arith.constant true
      %reduce_max3A_526 = vector.broadcast %reduce_max3A_525 : i1 to vector<16xi1>
      %reduce_max3A_527 = tpu.scan <max>, %select_n3A_524 masked %reduce_max3A_526 : vector<16xf32>, vector<16xi1> -> vector<16xf32>
      %reduce_max3A_528 = vector.extract %reduce_max3A_527[15] : f32 from vector<16xf32>
      %add3A_529 = vector.broadcast %reduce_max3A_528 : f32 to vector<16xf32>
      %add3A_530 = arith.addf %broadcast_in_dim3A_432, %add3A_529 : vector<16xf32>
      %add3A_531 = vector.broadcast %xor3A_371 : i32 to vector<16xi32>
      %add3A_532 = arith.addi %broadcast_in_dim3A_434, %add3A_531 : vector<16xi32>
      %gt3A_533 = arith.cmpf ogt, %add3A_530, %select_n3A_503 : vector<16xf32>
      %eq3A_534 = arith.cmpf oeq, %add3A_530, %select_n3A_503 : vector<16xf32>
      %lt3A_535 = arith.cmpi slt, %add3A_532, %select_n3A_504 : vector<16xi32>
      %and3A_536 = arith.andi %eq3A_534, %lt3A_535 : vector<16xi1>
      %or3A_537 = arith.ori %gt3A_533, %and3A_536 : vector<16xi1>
      %select_n3A_538 = arith.select %or3A_537, %select_n3A_503, %add3A_530 : vector<16xi1>, vector<16xf32>
      %select_n3A_539 = arith.select %or3A_537, %select_n3A_504, %add3A_532 : vector<16xi1>, vector<16xi32>
      %select_n3A_540 = arith.select %or3A_537, %add3A_530, %select_n3A_503 : vector<16xi1>, vector<16xf32>
      %select_n3A_541 = arith.select %or3A_537, %add3A_532, %select_n3A_504 : vector<16xi1>, vector<16xi32>
      %gt3A_542 = arith.cmpf ogt, %select_n3A_538, %select_n3A_512 : vector<16xf32>
      %eq3A_543 = arith.cmpf oeq, %select_n3A_538, %select_n3A_512 : vector<16xf32>
      %lt3A_544 = arith.cmpi slt, %select_n3A_539, %select_n3A_513 : vector<16xi32>
      %and3A_545 = arith.andi %eq3A_543, %lt3A_544 : vector<16xi1>
      %or3A_546 = arith.ori %gt3A_542, %and3A_545 : vector<16xi1>
      %select_n3A_547 = arith.select %or3A_546, %select_n3A_512, %select_n3A_538 : vector<16xi1>, vector<16xf32>
      %select_n3A_548 = arith.select %or3A_546, %select_n3A_513, %select_n3A_539 : vector<16xi1>, vector<16xi32>
      %select_n3A_549 = arith.select %or3A_546, %select_n3A_538, %select_n3A_512 : vector<16xi1>, vector<16xf32>
      %select_n3A_550 = arith.select %or3A_546, %select_n3A_539, %select_n3A_513 : vector<16xi1>, vector<16xi32>
      %gt3A_551 = arith.cmpf ogt, %select_n3A_547, %select_n3A_519 : vector<16xf32>
      %eq3A_552 = arith.cmpf oeq, %select_n3A_547, %select_n3A_519 : vector<16xf32>
      %lt3A_553 = arith.cmpi slt, %select_n3A_548, %select_n3A_520 : vector<16xi32>
      %and3A_554 = arith.andi %eq3A_552, %lt3A_553 : vector<16xi1>
      %or3A_555 = arith.ori %gt3A_551, %and3A_554 : vector<16xi1>
      %select_n3A_556 = arith.select %or3A_555, %select_n3A_547, %select_n3A_519 : vector<16xi1>, vector<16xf32>
      %select_n3A_557 = arith.select %or3A_555, %select_n3A_548, %select_n3A_520 : vector<16xi1>, vector<16xi32>
      %eq3A_558 = arith.constant 3 : i32
      %eq3A_559 = vector.broadcast %eq3A_558 : i32 to vector<16xi32>
      %eq3A_560 = arith.cmpi eq, %iota3A, %eq3A_559 : vector<16xi32>
      %select_n3A_561 = arith.select %eq3A_560, %gather3A, %broadcast_in_dim3A_1 : vector<16xi1>, vector<16xf32>
      %reduce_max3A_562 = arith.constant true
      %reduce_max3A_563 = vector.broadcast %reduce_max3A_562 : i1 to vector<16xi1>
      %reduce_max3A_564 = tpu.scan <max>, %select_n3A_561 masked %reduce_max3A_563 : vector<16xf32>, vector<16xi1> -> vector<16xf32>
      %reduce_max3A_565 = vector.extract %reduce_max3A_564[15] : f32 from vector<16xf32>
      %add3A_566 = vector.broadcast %reduce_max3A_565 : f32 to vector<16xf32>
      %add3A_567 = arith.addf %broadcast_in_dim3A_432, %add3A_566 : vector<16xf32>
      %add3A_568 = vector.broadcast %xor3A_373 : i32 to vector<16xi32>
      %add3A_569 = arith.addi %broadcast_in_dim3A_434, %add3A_568 : vector<16xi32>
      %gt3A_570 = arith.cmpf ogt, %add3A_567, %select_n3A_540 : vector<16xf32>
      %eq3A_571 = arith.cmpf oeq, %add3A_567, %select_n3A_540 : vector<16xf32>
      %lt3A_572 = arith.cmpi slt, %add3A_569, %select_n3A_541 : vector<16xi32>
      %and3A_573 = arith.andi %eq3A_571, %lt3A_572 : vector<16xi1>
      %or3A_574 = arith.ori %gt3A_570, %and3A_573 : vector<16xi1>
      %select_n3A_575 = arith.select %or3A_574, %select_n3A_540, %add3A_567 : vector<16xi1>, vector<16xf32>
      %select_n3A_576 = arith.select %or3A_574, %select_n3A_541, %add3A_569 : vector<16xi1>, vector<16xi32>
      %select_n3A_577 = arith.select %or3A_574, %add3A_567, %select_n3A_540 : vector<16xi1>, vector<16xf32>
      %select_n3A_578 = arith.select %or3A_574, %add3A_569, %select_n3A_541 : vector<16xi1>, vector<16xi32>
      %gt3A_579 = arith.cmpf ogt, %select_n3A_575, %select_n3A_549 : vector<16xf32>
      %eq3A_580 = arith.cmpf oeq, %select_n3A_575, %select_n3A_549 : vector<16xf32>
      %lt3A_581 = arith.cmpi slt, %select_n3A_576, %select_n3A_550 : vector<16xi32>
      %and3A_582 = arith.andi %eq3A_580, %lt3A_581 : vector<16xi1>
      %or3A_583 = arith.ori %gt3A_579, %and3A_582 : vector<16xi1>
      %select_n3A_584 = arith.select %or3A_583, %select_n3A_549, %select_n3A_575 : vector<16xi1>, vector<16xf32>
      %select_n3A_585 = arith.select %or3A_583, %select_n3A_550, %select_n3A_576 : vector<16xi1>, vector<16xi32>
      %select_n3A_586 = arith.select %or3A_583, %select_n3A_575, %select_n3A_549 : vector<16xi1>, vector<16xf32>
      %select_n3A_587 = arith.select %or3A_583, %select_n3A_576, %select_n3A_550 : vector<16xi1>, vector<16xi32>
      %gt3A_588 = arith.cmpf ogt, %select_n3A_584, %select_n3A_556 : vector<16xf32>
      %eq3A_589 = arith.cmpf oeq, %select_n3A_584, %select_n3A_556 : vector<16xf32>
      %lt3A_590 = arith.cmpi slt, %select_n3A_585, %select_n3A_557 : vector<16xi32>
      %and3A_591 = arith.andi %eq3A_589, %lt3A_590 : vector<16xi1>
      %or3A_592 = arith.ori %gt3A_588, %and3A_591 : vector<16xi1>
      %select_n3A_593 = arith.select %or3A_592, %select_n3A_584, %select_n3A_556 : vector<16xi1>, vector<16xf32>
      %select_n3A_594 = arith.select %or3A_592, %select_n3A_585, %select_n3A_557 : vector<16xi1>, vector<16xi32>
      %eq3A_595 = arith.constant 4 : i32
      %eq3A_596 = vector.broadcast %eq3A_595 : i32 to vector<16xi32>
      %eq3A_597 = arith.cmpi eq, %iota3A, %eq3A_596 : vector<16xi32>
      %select_n3A_598 = arith.select %eq3A_597, %gather3A, %broadcast_in_dim3A_1 : vector<16xi1>, vector<16xf32>
      %reduce_max3A_599 = arith.constant true
      %reduce_max3A_600 = vector.broadcast %reduce_max3A_599 : i1 to vector<16xi1>
      %reduce_max3A_601 = tpu.scan <max>, %select_n3A_598 masked %reduce_max3A_600 : vector<16xf32>, vector<16xi1> -> vector<16xf32>
      %reduce_max3A_602 = vector.extract %reduce_max3A_601[15] : f32 from vector<16xf32>
      %add3A_603 = vector.broadcast %reduce_max3A_602 : f32 to vector<16xf32>
      %add3A_604 = arith.addf %broadcast_in_dim3A_432, %add3A_603 : vector<16xf32>
      %add3A_605 = vector.broadcast %xor3A_375 : i32 to vector<16xi32>
      %add3A_606 = arith.addi %broadcast_in_dim3A_434, %add3A_605 : vector<16xi32>
      %gt3A_607 = arith.cmpf ogt, %add3A_604, %select_n3A_577 : vector<16xf32>
      %eq3A_608 = arith.cmpf oeq, %add3A_604, %select_n3A_577 : vector<16xf32>
      %lt3A_609 = arith.cmpi slt, %add3A_606, %select_n3A_578 : vector<16xi32>
      %and3A_610 = arith.andi %eq3A_608, %lt3A_609 : vector<16xi1>
      %or3A_611 = arith.ori %gt3A_607, %and3A_610 : vector<16xi1>
      %select_n3A_612 = arith.select %or3A_611, %select_n3A_577, %add3A_604 : vector<16xi1>, vector<16xf32>
      %select_n3A_613 = arith.select %or3A_611, %select_n3A_578, %add3A_606 : vector<16xi1>, vector<16xi32>
      %select_n3A_614 = arith.select %or3A_611, %add3A_604, %select_n3A_577 : vector<16xi1>, vector<16xf32>
      %select_n3A_615 = arith.select %or3A_611, %add3A_606, %select_n3A_578 : vector<16xi1>, vector<16xi32>
      %gt3A_616 = arith.cmpf ogt, %select_n3A_612, %select_n3A_586 : vector<16xf32>
      %eq3A_617 = arith.cmpf oeq, %select_n3A_612, %select_n3A_586 : vector<16xf32>
      %lt3A_618 = arith.cmpi slt, %select_n3A_613, %select_n3A_587 : vector<16xi32>
      %and3A_619 = arith.andi %eq3A_617, %lt3A_618 : vector<16xi1>
      %or3A_620 = arith.ori %gt3A_616, %and3A_619 : vector<16xi1>
      %select_n3A_621 = arith.select %or3A_620, %select_n3A_586, %select_n3A_612 : vector<16xi1>, vector<16xf32>
      %select_n3A_622 = arith.select %or3A_620, %select_n3A_587, %select_n3A_613 : vector<16xi1>, vector<16xi32>
      %select_n3A_623 = arith.select %or3A_620, %select_n3A_612, %select_n3A_586 : vector<16xi1>, vector<16xf32>
      %select_n3A_624 = arith.select %or3A_620, %select_n3A_613, %select_n3A_587 : vector<16xi1>, vector<16xi32>
      %gt3A_625 = arith.cmpf ogt, %select_n3A_621, %select_n3A_593 : vector<16xf32>
      %eq3A_626 = arith.cmpf oeq, %select_n3A_621, %select_n3A_593 : vector<16xf32>
      %lt3A_627 = arith.cmpi slt, %select_n3A_622, %select_n3A_594 : vector<16xi32>
      %and3A_628 = arith.andi %eq3A_626, %lt3A_627 : vector<16xi1>
      %or3A_629 = arith.ori %gt3A_625, %and3A_628 : vector<16xi1>
      %select_n3A_630 = arith.select %or3A_629, %select_n3A_621, %select_n3A_593 : vector<16xi1>, vector<16xf32>
      %select_n3A_631 = arith.select %or3A_629, %select_n3A_622, %select_n3A_594 : vector<16xi1>, vector<16xi32>
      %eq3A_632 = arith.constant 5 : i32
      %eq3A_633 = vector.broadcast %eq3A_632 : i32 to vector<16xi32>
      %eq3A_634 = arith.cmpi eq, %iota3A, %eq3A_633 : vector<16xi32>
      %select_n3A_635 = arith.select %eq3A_634, %gather3A, %broadcast_in_dim3A_1 : vector<16xi1>, vector<16xf32>
      %reduce_max3A_636 = arith.constant true
      %reduce_max3A_637 = vector.broadcast %reduce_max3A_636 : i1 to vector<16xi1>
      %reduce_max3A_638 = tpu.scan <max>, %select_n3A_635 masked %reduce_max3A_637 : vector<16xf32>, vector<16xi1> -> vector<16xf32>
      %reduce_max3A_639 = vector.extract %reduce_max3A_638[15] : f32 from vector<16xf32>
      %add3A_640 = vector.broadcast %reduce_max3A_639 : f32 to vector<16xf32>
      %add3A_641 = arith.addf %broadcast_in_dim3A_432, %add3A_640 : vector<16xf32>
      %add3A_642 = vector.broadcast %xor3A_377 : i32 to vector<16xi32>
      %add3A_643 = arith.addi %broadcast_in_dim3A_434, %add3A_642 : vector<16xi32>
      %gt3A_644 = arith.cmpf ogt, %add3A_641, %select_n3A_614 : vector<16xf32>
      %eq3A_645 = arith.cmpf oeq, %add3A_641, %select_n3A_614 : vector<16xf32>
      %lt3A_646 = arith.cmpi slt, %add3A_643, %select_n3A_615 : vector<16xi32>
      %and3A_647 = arith.andi %eq3A_645, %lt3A_646 : vector<16xi1>
      %or3A_648 = arith.ori %gt3A_644, %and3A_647 : vector<16xi1>
      %select_n3A_649 = arith.select %or3A_648, %select_n3A_614, %add3A_641 : vector<16xi1>, vector<16xf32>
      %select_n3A_650 = arith.select %or3A_648, %select_n3A_615, %add3A_643 : vector<16xi1>, vector<16xi32>
      %select_n3A_651 = arith.select %or3A_648, %add3A_641, %select_n3A_614 : vector<16xi1>, vector<16xf32>
      %select_n3A_652 = arith.select %or3A_648, %add3A_643, %select_n3A_615 : vector<16xi1>, vector<16xi32>
      %gt3A_653 = arith.cmpf ogt, %select_n3A_649, %select_n3A_623 : vector<16xf32>
      %eq3A_654 = arith.cmpf oeq, %select_n3A_649, %select_n3A_623 : vector<16xf32>
      %lt3A_655 = arith.cmpi slt, %select_n3A_650, %select_n3A_624 : vector<16xi32>
      %and3A_656 = arith.andi %eq3A_654, %lt3A_655 : vector<16xi1>
      %or3A_657 = arith.ori %gt3A_653, %and3A_656 : vector<16xi1>
      %select_n3A_658 = arith.select %or3A_657, %select_n3A_623, %select_n3A_649 : vector<16xi1>, vector<16xf32>
      %select_n3A_659 = arith.select %or3A_657, %select_n3A_624, %select_n3A_650 : vector<16xi1>, vector<16xi32>
      %select_n3A_660 = arith.select %or3A_657, %select_n3A_649, %select_n3A_623 : vector<16xi1>, vector<16xf32>
      %select_n3A_661 = arith.select %or3A_657, %select_n3A_650, %select_n3A_624 : vector<16xi1>, vector<16xi32>
      %gt3A_662 = arith.cmpf ogt, %select_n3A_658, %select_n3A_630 : vector<16xf32>
      %eq3A_663 = arith.cmpf oeq, %select_n3A_658, %select_n3A_630 : vector<16xf32>
      %lt3A_664 = arith.cmpi slt, %select_n3A_659, %select_n3A_631 : vector<16xi32>
      %and3A_665 = arith.andi %eq3A_663, %lt3A_664 : vector<16xi1>
      %or3A_666 = arith.ori %gt3A_662, %and3A_665 : vector<16xi1>
      %select_n3A_667 = arith.select %or3A_666, %select_n3A_658, %select_n3A_630 : vector<16xi1>, vector<16xf32>
      %select_n3A_668 = arith.select %or3A_666, %select_n3A_659, %select_n3A_631 : vector<16xi1>, vector<16xi32>
      %eq3A_669 = arith.constant 6 : i32
      %eq3A_670 = vector.broadcast %eq3A_669 : i32 to vector<16xi32>
      %eq3A_671 = arith.cmpi eq, %iota3A, %eq3A_670 : vector<16xi32>
      %select_n3A_672 = arith.select %eq3A_671, %gather3A, %broadcast_in_dim3A_1 : vector<16xi1>, vector<16xf32>
      %reduce_max3A_673 = arith.constant true
      %reduce_max3A_674 = vector.broadcast %reduce_max3A_673 : i1 to vector<16xi1>
      %reduce_max3A_675 = tpu.scan <max>, %select_n3A_672 masked %reduce_max3A_674 : vector<16xf32>, vector<16xi1> -> vector<16xf32>
      %reduce_max3A_676 = vector.extract %reduce_max3A_675[15] : f32 from vector<16xf32>
      %add3A_677 = vector.broadcast %reduce_max3A_676 : f32 to vector<16xf32>
      %add3A_678 = arith.addf %broadcast_in_dim3A_432, %add3A_677 : vector<16xf32>
      %add3A_679 = vector.broadcast %xor3A_379 : i32 to vector<16xi32>
      %add3A_680 = arith.addi %broadcast_in_dim3A_434, %add3A_679 : vector<16xi32>
      %gt3A_681 = arith.cmpf ogt, %add3A_678, %select_n3A_651 : vector<16xf32>
      %eq3A_682 = arith.cmpf oeq, %add3A_678, %select_n3A_651 : vector<16xf32>
      %lt3A_683 = arith.cmpi slt, %add3A_680, %select_n3A_652 : vector<16xi32>
      %and3A_684 = arith.andi %eq3A_682, %lt3A_683 : vector<16xi1>
      %or3A_685 = arith.ori %gt3A_681, %and3A_684 : vector<16xi1>
      %select_n3A_686 = arith.select %or3A_685, %select_n3A_651, %add3A_678 : vector<16xi1>, vector<16xf32>
      %select_n3A_687 = arith.select %or3A_685, %select_n3A_652, %add3A_680 : vector<16xi1>, vector<16xi32>
      %select_n3A_688 = arith.select %or3A_685, %add3A_678, %select_n3A_651 : vector<16xi1>, vector<16xf32>
      %select_n3A_689 = arith.select %or3A_685, %add3A_680, %select_n3A_652 : vector<16xi1>, vector<16xi32>
      %gt3A_690 = arith.cmpf ogt, %select_n3A_686, %select_n3A_660 : vector<16xf32>
      %eq3A_691 = arith.cmpf oeq, %select_n3A_686, %select_n3A_660 : vector<16xf32>
      %lt3A_692 = arith.cmpi slt, %select_n3A_687, %select_n3A_661 : vector<16xi32>
      %and3A_693 = arith.andi %eq3A_691, %lt3A_692 : vector<16xi1>
      %or3A_694 = arith.ori %gt3A_690, %and3A_693 : vector<16xi1>
      %select_n3A_695 = arith.select %or3A_694, %select_n3A_660, %select_n3A_686 : vector<16xi1>, vector<16xf32>
      %select_n3A_696 = arith.select %or3A_694, %select_n3A_661, %select_n3A_687 : vector<16xi1>, vector<16xi32>
      %select_n3A_697 = arith.select %or3A_694, %select_n3A_686, %select_n3A_660 : vector<16xi1>, vector<16xf32>
      %select_n3A_698 = arith.select %or3A_694, %select_n3A_687, %select_n3A_661 : vector<16xi1>, vector<16xi32>
      %gt3A_699 = arith.cmpf ogt, %select_n3A_695, %select_n3A_667 : vector<16xf32>
      %eq3A_700 = arith.cmpf oeq, %select_n3A_695, %select_n3A_667 : vector<16xf32>
      %lt3A_701 = arith.cmpi slt, %select_n3A_696, %select_n3A_668 : vector<16xi32>
      %and3A_702 = arith.andi %eq3A_700, %lt3A_701 : vector<16xi1>
      %or3A_703 = arith.ori %gt3A_699, %and3A_702 : vector<16xi1>
      %select_n3A_704 = arith.select %or3A_703, %select_n3A_695, %select_n3A_667 : vector<16xi1>, vector<16xf32>
      %select_n3A_705 = arith.select %or3A_703, %select_n3A_696, %select_n3A_668 : vector<16xi1>, vector<16xi32>
      %eq3A_706 = arith.constant 7 : i32
      %eq3A_707 = vector.broadcast %eq3A_706 : i32 to vector<16xi32>
      %eq3A_708 = arith.cmpi eq, %iota3A, %eq3A_707 : vector<16xi32>
      %select_n3A_709 = arith.select %eq3A_708, %gather3A, %broadcast_in_dim3A_1 : vector<16xi1>, vector<16xf32>
      %reduce_max3A_710 = arith.constant true
      %reduce_max3A_711 = vector.broadcast %reduce_max3A_710 : i1 to vector<16xi1>
      %reduce_max3A_712 = tpu.scan <max>, %select_n3A_709 masked %reduce_max3A_711 : vector<16xf32>, vector<16xi1> -> vector<16xf32>
      %reduce_max3A_713 = vector.extract %reduce_max3A_712[15] : f32 from vector<16xf32>
      %add3A_714 = vector.broadcast %reduce_max3A_713 : f32 to vector<16xf32>
      %add3A_715 = arith.addf %broadcast_in_dim3A_432, %add3A_714 : vector<16xf32>
      %add3A_716 = vector.broadcast %xor3A_381 : i32 to vector<16xi32>
      %add3A_717 = arith.addi %broadcast_in_dim3A_434, %add3A_716 : vector<16xi32>
      %gt3A_718 = arith.cmpf ogt, %add3A_715, %select_n3A_688 : vector<16xf32>
      %eq3A_719 = arith.cmpf oeq, %add3A_715, %select_n3A_688 : vector<16xf32>
      %lt3A_720 = arith.cmpi slt, %add3A_717, %select_n3A_689 : vector<16xi32>
      %and3A_721 = arith.andi %eq3A_719, %lt3A_720 : vector<16xi1>
      %or3A_722 = arith.ori %gt3A_718, %and3A_721 : vector<16xi1>
      %select_n3A_723 = arith.select %or3A_722, %select_n3A_688, %add3A_715 : vector<16xi1>, vector<16xf32>
      %select_n3A_724 = arith.select %or3A_722, %select_n3A_689, %add3A_717 : vector<16xi1>, vector<16xi32>
      %select_n3A_725 = arith.select %or3A_722, %add3A_715, %select_n3A_688 : vector<16xi1>, vector<16xf32>
      %select_n3A_726 = arith.select %or3A_722, %add3A_717, %select_n3A_689 : vector<16xi1>, vector<16xi32>
      %gt3A_727 = arith.cmpf ogt, %select_n3A_723, %select_n3A_697 : vector<16xf32>
      %eq3A_728 = arith.cmpf oeq, %select_n3A_723, %select_n3A_697 : vector<16xf32>
      %lt3A_729 = arith.cmpi slt, %select_n3A_724, %select_n3A_698 : vector<16xi32>
      %and3A_730 = arith.andi %eq3A_728, %lt3A_729 : vector<16xi1>
      %or3A_731 = arith.ori %gt3A_727, %and3A_730 : vector<16xi1>
      %select_n3A_732 = arith.select %or3A_731, %select_n3A_697, %select_n3A_723 : vector<16xi1>, vector<16xf32>
      %select_n3A_733 = arith.select %or3A_731, %select_n3A_698, %select_n3A_724 : vector<16xi1>, vector<16xi32>
      %select_n3A_734 = arith.select %or3A_731, %select_n3A_723, %select_n3A_697 : vector<16xi1>, vector<16xf32>
      %select_n3A_735 = arith.select %or3A_731, %select_n3A_724, %select_n3A_698 : vector<16xi1>, vector<16xi32>
      %gt3A_736 = arith.cmpf ogt, %select_n3A_732, %select_n3A_704 : vector<16xf32>
      %eq3A_737 = arith.cmpf oeq, %select_n3A_732, %select_n3A_704 : vector<16xf32>
      %lt3A_738 = arith.cmpi slt, %select_n3A_733, %select_n3A_705 : vector<16xi32>
      %and3A_739 = arith.andi %eq3A_737, %lt3A_738 : vector<16xi1>
      %or3A_740 = arith.ori %gt3A_736, %and3A_739 : vector<16xi1>
      %select_n3A_741 = arith.select %or3A_740, %select_n3A_732, %select_n3A_704 : vector<16xi1>, vector<16xf32>
      %select_n3A_742 = arith.select %or3A_740, %select_n3A_733, %select_n3A_705 : vector<16xi1>, vector<16xi32>
      %eq3A_743 = arith.constant 8 : i32
      %eq3A_744 = vector.broadcast %eq3A_743 : i32 to vector<16xi32>
      %eq3A_745 = arith.cmpi eq, %iota3A, %eq3A_744 : vector<16xi32>
      %select_n3A_746 = arith.select %eq3A_745, %gather3A, %broadcast_in_dim3A_1 : vector<16xi1>, vector<16xf32>
      %reduce_max3A_747 = arith.constant true
      %reduce_max3A_748 = vector.broadcast %reduce_max3A_747 : i1 to vector<16xi1>
      %reduce_max3A_749 = tpu.scan <max>, %select_n3A_746 masked %reduce_max3A_748 : vector<16xf32>, vector<16xi1> -> vector<16xf32>
      %reduce_max3A_750 = vector.extract %reduce_max3A_749[15] : f32 from vector<16xf32>
      %add3A_751 = vector.broadcast %reduce_max3A_750 : f32 to vector<16xf32>
      %add3A_752 = arith.addf %broadcast_in_dim3A_432, %add3A_751 : vector<16xf32>
      %add3A_753 = vector.broadcast %xor3A_383 : i32 to vector<16xi32>
      %add3A_754 = arith.addi %broadcast_in_dim3A_434, %add3A_753 : vector<16xi32>
      %gt3A_755 = arith.cmpf ogt, %add3A_752, %select_n3A_725 : vector<16xf32>
      %eq3A_756 = arith.cmpf oeq, %add3A_752, %select_n3A_725 : vector<16xf32>
      %lt3A_757 = arith.cmpi slt, %add3A_754, %select_n3A_726 : vector<16xi32>
      %and3A_758 = arith.andi %eq3A_756, %lt3A_757 : vector<16xi1>
      %or3A_759 = arith.ori %gt3A_755, %and3A_758 : vector<16xi1>
      %select_n3A_760 = arith.select %or3A_759, %select_n3A_725, %add3A_752 : vector<16xi1>, vector<16xf32>
      %select_n3A_761 = arith.select %or3A_759, %select_n3A_726, %add3A_754 : vector<16xi1>, vector<16xi32>
      %select_n3A_762 = arith.select %or3A_759, %add3A_752, %select_n3A_725 : vector<16xi1>, vector<16xf32>
      %select_n3A_763 = arith.select %or3A_759, %add3A_754, %select_n3A_726 : vector<16xi1>, vector<16xi32>
      %gt3A_764 = arith.cmpf ogt, %select_n3A_760, %select_n3A_734 : vector<16xf32>
      %eq3A_765 = arith.cmpf oeq, %select_n3A_760, %select_n3A_734 : vector<16xf32>
      %lt3A_766 = arith.cmpi slt, %select_n3A_761, %select_n3A_735 : vector<16xi32>
      %and3A_767 = arith.andi %eq3A_765, %lt3A_766 : vector<16xi1>
      %or3A_768 = arith.ori %gt3A_764, %and3A_767 : vector<16xi1>
      %select_n3A_769 = arith.select %or3A_768, %select_n3A_734, %select_n3A_760 : vector<16xi1>, vector<16xf32>
      %select_n3A_770 = arith.select %or3A_768, %select_n3A_735, %select_n3A_761 : vector<16xi1>, vector<16xi32>
      %select_n3A_771 = arith.select %or3A_768, %select_n3A_760, %select_n3A_734 : vector<16xi1>, vector<16xf32>
      %select_n3A_772 = arith.select %or3A_768, %select_n3A_761, %select_n3A_735 : vector<16xi1>, vector<16xi32>
      %gt3A_773 = arith.cmpf ogt, %select_n3A_769, %select_n3A_741 : vector<16xf32>
      %eq3A_774 = arith.cmpf oeq, %select_n3A_769, %select_n3A_741 : vector<16xf32>
      %lt3A_775 = arith.cmpi slt, %select_n3A_770, %select_n3A_742 : vector<16xi32>
      %and3A_776 = arith.andi %eq3A_774, %lt3A_775 : vector<16xi1>
      %or3A_777 = arith.ori %gt3A_773, %and3A_776 : vector<16xi1>
      %select_n3A_778 = arith.select %or3A_777, %select_n3A_769, %select_n3A_741 : vector<16xi1>, vector<16xf32>
      %select_n3A_779 = arith.select %or3A_777, %select_n3A_770, %select_n3A_742 : vector<16xi1>, vector<16xi32>
      %eq3A_780 = arith.constant 0 : i32
      %eq3A_781 = vector.broadcast %eq3A_780 : i32 to vector<16xi32>
      %eq3A_782 = arith.cmpi eq, %iota3A, %eq3A_781 : vector<16xi32>
      %eq3A_783 = arith.constant 1 : i32
      %eq3A_784 = vector.broadcast %eq3A_783 : i32 to vector<16xi32>
      %eq3A_785 = arith.cmpi eq, %iota3A, %eq3A_784 : vector<16xi32>
      %eq3A_786 = arith.constant 2 : i32
      %eq3A_787 = vector.broadcast %eq3A_786 : i32 to vector<16xi32>
      %eq3A_788 = arith.cmpi eq, %iota3A, %eq3A_787 : vector<16xi32>
      %jit3A = arith.constant 0.000000e+00 : f32
      %broadcast_in_dim3A_789 = vector.broadcast %jit3A : f32 to vector<16xf32>
      %select_n3A_790 = arith.select %eq3A_788, %select_n3A_778, %broadcast_in_dim3A_789 : vector<16xi1>, vector<16xf32>
      %select_n3A_791 = arith.select %eq3A_785, %select_n3A_771, %select_n3A_790 : vector<16xi1>, vector<16xf32>
      %select_n3A_792 = arith.select %eq3A_782, %select_n3A_762, %select_n3A_791 : vector<16xi1>, vector<16xf32>
      %eq3A_793 = arith.constant 0 : i32
      %eq3A_794 = vector.broadcast %eq3A_793 : i32 to vector<16xi32>
      %eq3A_795 = arith.cmpi eq, %iota3A, %eq3A_794 : vector<16xi32>
      %eq3A_796 = arith.constant 1 : i32
      %eq3A_797 = vector.broadcast %eq3A_796 : i32 to vector<16xi32>
      %eq3A_798 = arith.cmpi eq, %iota3A, %eq3A_797 : vector<16xi32>
      %eq3A_799 = arith.constant 2 : i32
      %eq3A_800 = vector.broadcast %eq3A_799 : i32 to vector<16xi32>
      %eq3A_801 = arith.cmpi eq, %iota3A, %eq3A_800 : vector<16xi32>
      %jit3A_802 = arith.constant 0 : i32
      %broadcast_in_dim3A_803 = vector.broadcast %jit3A_802 : i32 to vector<16xi32>
      %select_n3A_804 = arith.select %eq3A_801, %select_n3A_779, %broadcast_in_dim3A_803 : vector<16xi1>, vector<16xi32>
      %select_n3A_805 = arith.select %eq3A_798, %select_n3A_772, %select_n3A_804 : vector<16xi1>, vector<16xi32>
      %select_n3A_806 = arith.select %eq3A_795, %select_n3A_763, %select_n3A_805 : vector<16xi1>, vector<16xi32>
      %bitcast3A = vector.bitcast %select_n3A_792 : vector<16xf32> to vector<16xi32>
      %swap3A = arith.constant 0 : index
      %swap3A_807 = tpu.vector_load %arg5[%swap3A] {strides = array<i32>} : memref<16xi32, #tpu.memory_space<vmem>>, vector<16xi32>,
      tpu.vector_store %arg5[%swap3A], %bitcast3A {strides = array<i32>} : memref<16xi32, #tpu.memory_space<vmem>>, vector<16xi32>,
      %swap3A_808 = arith.constant 0 : index
      %swap3A_809 = tpu.vector_load %arg6[%swap3A_808] {strides = array<i32>} : memref<16xi32, #tpu.memory_space<vmem>>, vector<16xi32>,
      tpu.vector_store %arg6[%swap3A_808], %select_n3A_806 {strides = array<i32>} : memref<16xi32, #tpu.memory_space<vmem>>, vector<16xi32>,
      %add3A_810 = arith.addi %mul3A_7, %scan3A_65 : i32
      "tpu.region"() ({
        %run_scoped3A = tpu.sem_alloc : memref<!tpu.dma_semaphore, #tpu.memory_space<semaphore_mem>>
        %dma_start3A_815 = arith.constant 0 : i32
        %dma_start3A_816 = tpu.memref_slice %arg3[%add3A_810, %dma_start3A_815] : memref<128x16xi32, #tpu.memory_space<hbm>> -> memref<1x16xi32, #tpu.memory_space<hbm>>
        %dma_start3A_817 = tpu.memref_squeeze %dma_start3A_816 : memref<1x16xi32, #tpu.memory_space<hbm>> -> memref<16xi32, #tpu.memory_space<hbm>>
        %dma_start3A_818 = arith.constant 0 : i32
        %dma_start3A_819 = tpu.memref_slice %arg3[%add3A_810, %dma_start3A_818] : memref<128x16xi32, #tpu.memory_space<hbm>> -> memref<1x16xi32, #tpu.memory_space<hbm>>
        %dma_start3A_820 = tpu.memref_squeeze %dma_start3A_819 : memref<1x16xi32, #tpu.memory_space<hbm>> -> memref<16xi32, #tpu.memory_space<hbm>>
        tpu.enqueue_dma source(%arg5 : memref<16xi32, #tpu.memory_space<vmem>>) target(%dma_start3A_820 : memref<16xi32, #tpu.memory_space<hbm>>) target_semaphore(%run_scoped3A : memref<!tpu.dma_semaphore, #tpu.memory_space<semaphore_mem>>)
        %dma_wait3A_821 = arith.constant 0 : i32
        %dma_wait3A_822 = tpu.memref_slice %arg3[%add3A_810, %dma_wait3A_821] : memref<128x16xi32, #tpu.memory_space<hbm>> -> memref<1x16xi32, #tpu.memory_space<hbm>>
        %dma_wait3A_823 = tpu.memref_squeeze %dma_wait3A_822 : memref<1x16xi32, #tpu.memory_space<hbm>> -> memref<16xi32, #tpu.memory_space<hbm>>
        %dma_wait3A_824 = arith.constant 0 : i32
        %dma_wait3A_825 = tpu.memref_slice %arg3[%add3A_810, %dma_wait3A_824] : memref<128x16xi32, #tpu.memory_space<hbm>> -> memref<1x16xi32, #tpu.memory_space<hbm>>
        %dma_wait3A_826 = tpu.memref_squeeze %dma_wait3A_825 : memref<1x16xi32, #tpu.memory_space<hbm>> -> memref<16xi32, #tpu.memory_space<hbm>>
        tpu.wait_dma2 semaphore(%run_scoped3A : memref<!tpu.dma_semaphore, #tpu.memory_space<semaphore_mem>>) src(%arg5 : memref<16xi32, #tpu.memory_space<vmem>>) dst(%dma_wait3A_826 : memref<16xi32, #tpu.memory_space<hbm>>)
        tpu.yield
      }) : () -> ()
      %add3A_811 = arith.constant 64 : i32
      %add3A_812 = arith.addi %add3A_811, %mul3A_7 : i32
      %add3A_813 = arith.addi %add3A_812, %scan3A_65 : i32
      "tpu.region"() ({
        %run_scoped3A = tpu.sem_alloc : memref<!tpu.dma_semaphore, #tpu.memory_space<semaphore_mem>>
        %dma_start3A_815 = arith.constant 0 : i32
        %dma_start3A_816 = tpu.memref_slice %arg3[%add3A_813, %dma_start3A_815] : memref<128x16xi32, #tpu.memory_space<hbm>> -> memref<1x16xi32, #tpu.memory_space<hbm>>
        %dma_start3A_817 = tpu.memref_squeeze %dma_start3A_816 : memref<1x16xi32, #tpu.memory_space<hbm>> -> memref<16xi32, #tpu.memory_space<hbm>>
        %dma_start3A_818 = arith.constant 0 : i32
        %dma_start3A_819 = tpu.memref_slice %arg3[%add3A_813, %dma_start3A_818] : memref<128x16xi32, #tpu.memory_space<hbm>> -> memref<1x16xi32, #tpu.memory_space<hbm>>
        %dma_start3A_820 = tpu.memref_squeeze %dma_start3A_819 : memref<1x16xi32, #tpu.memory_space<hbm>> -> memref<16xi32, #tpu.memory_space<hbm>>
        tpu.enqueue_dma source(%arg6 : memref<16xi32, #tpu.memory_space<vmem>>) target(%dma_start3A_820 : memref<16xi32, #tpu.memory_space<hbm>>) target_semaphore(%run_scoped3A : memref<!tpu.dma_semaphore, #tpu.memory_space<semaphore_mem>>)
        %dma_wait3A_821 = arith.constant 0 : i32
        %dma_wait3A_822 = tpu.memref_slice %arg3[%add3A_813, %dma_wait3A_821] : memref<128x16xi32, #tpu.memory_space<hbm>> -> memref<1x16xi32, #tpu.memory_space<hbm>>
        %dma_wait3A_823 = tpu.memref_squeeze %dma_wait3A_822 : memref<1x16xi32, #tpu.memory_space<hbm>> -> memref<16xi32, #tpu.memory_space<hbm>>
        %dma_wait3A_824 = arith.constant 0 : i32
        %dma_wait3A_825 = tpu.memref_slice %arg3[%add3A_813, %dma_wait3A_824] : memref<128x16xi32, #tpu.memory_space<hbm>> -> memref<1x16xi32, #tpu.memory_space<hbm>>
        %dma_wait3A_826 = tpu.memref_squeeze %dma_wait3A_825 : memref<1x16xi32, #tpu.memory_space<hbm>> -> memref<16xi32, #tpu.memory_space<hbm>>
        tpu.wait_dma2 semaphore(%run_scoped3A : memref<!tpu.dma_semaphore, #tpu.memory_space<semaphore_mem>>) src(%arg6 : memref<16xi32, #tpu.memory_space<vmem>>) dst(%dma_wait3A_826 : memref<16xi32, #tpu.memory_space<hbm>>)
        tpu.yield
      }) : () -> ()
      %scan3A_814 = arith.constant 0 : i32
      scf.yield %scan3A_814 : i32
    }
    %scan3A_64 = arith.constant 2 : i32
    return
  }
}

</mosaic_0001>

<sc_bundles>
// kernel: _topk_sc.3.cloned.1.call-start
scs
__scs_entry_jumppad:
0x0: {  	(pc) =	sbr.rel $0x88, $3  }
0x1: {  	(tag) =	ssettag $0x0;
	lr =	simm.s32 $0x1  }
0x2: {  	[smem:$0x3FA0] =	sst lr;
	_ =	strace $0xD0000000  }
0x3: {  	_ = 	snop  }
0x4: {  	_ = 	snop  }
0x5: {  	_ = 	snop  }
0x6: {  	_ = 	snop  }
0x7: {  	_ = 	snop  }
__scs_overlays_trampoline_lowered:
0x8: {  	[smem:$0x3FAF] =	sst s0  }
0x9: {  	[smem:$0x3FB0] =	sst s1  }
0xa: {  	[smem:$0x3FB1] =	sst s2  }
0xb: {  	[smem:$0x3FB2] =	sst s3  }
0xc: {  	[smem:$0x3FB3] =	sst s4  }
0xd: {  	[smem:$0x3FB4] =	sst s5  }
0xe: {  	[smem:$0x3FB5] =	sst s6  }
0xf: {  	[smem:$0x3FB6] =	sst s7  }
0x10: {  	[smem:$0x3FB7] =	sst s8  }
0x11: {  	[smem:$0x3FB8] =	sst s9;
	s0 =	simm.s32 @!p0 $0x0  }
0x12: {  	s1 =	sld [smem:$0x3F9E];
	s0 =	simm.s32 @p0 $0x1  }
0x13: {  	[smem:$0x3FB9] =	sst s0;
	s0 =	simm.s32 @!p1 $0x0  }
0x14: {  	s2 =	sld [smem:$0x3F9D];
	s0 =	simm.s32 @p1 $0x1  }
0x15: {  	[smem:$0x3FBA] =	sst s0;
	s0 =	simm.s32 @!p2 $0x0  }
0x16: {  	s3 =	sld [smem:$0x3FDB];
	s0 =	simm.s32 @p2 $0x1  }
0x17: {  	s4 =	simm.s32 $0x1BF5;
	[smem:$0x3FBC] =	sst s0  }
0x18: {  	s0 =	sld [smem:$0x3F9F];
	_ =	swait.ge [sflag:s4], $0x0  }
0x19: {  	s7 =	sld [smem:$0x3FA0]  }
0x1a: {  	s8 =	sadd.s32 $0xFFFFE003, lr  }
0x1b: {  	s9 =	sadd.s32 $0xFFFFFEF7, lr;
	s5 =	simm.s32 $0xFFFFFFFF;
	p2 =	slt.u32 s8, $0xFFFFF086  }
0x1c: {  	p1 =	slt.u32 s9, $0xF7A;
	s5 =	simm.s32 @!p2 $0x0  }
0x1d: {  	s5 =	simm.s32 @p1 $0x1;
	p0 =	seq.s32 s7, s2  }
0x1e: {  	s7 =	smul.u32 @!p0 $0xF7A, s2;
	p2 =	seq.s32 @!p0 s5, $0x0  }
0x1f: {  	s9 =	smul.u32 $0xF7A, s1;
	s8 =	simm.s32 @!p0 $0x1BF5;
	p2 =	por !p2, p0  }
0x20: {  	[sflag:s8] =	ssyncset.s32 @!p0 $0xFFFFF086;
	s6 =	sadd.s32 @!p0 s3, s7;
	s7 =	simm.s32 @!p0 $0x108  }
0x21: {  	s3 =	sadd.s32 s3, s9;
	s6 =	sadd.s32 @!p0 $0x88, s6;
	s7 =	simm.s32 @p2 $0x1082  }
0x22: {  	[simem:s7], [sflag:s8] =	dma.local @!p0 [hbm:s6], $0xF7A  }
0x23: {  	s9 =	sor.u32 $0xD0000000, s2;
	s6 =	simm.s32 $0x108;
	_ =	swait.ge @!p0 [sflag:s8], $0x0  }
0x24: {  	s3 =	sadd.s32 $0x88, s3;
	s6 =	simm.s32 @!p1 $0x1082;
	[sflag:s4] =	ssyncset.s32 $0xFFFFF086  }
0x25: {  	[simem:s6], [sflag:s4] =	dma.local [hbm:s3], $0xF7A  }
0x26: {  	[smem:$0x3FA0] =	sst s1;
	(tag) =	ssettag s2;
	_ =	strace s9  }
0x27: {  	s1 =	sld [smem:$0x3FB0]  }
0x28: {  	s2 =	sld [smem:$0x3FB1]  }
0x29: {  	s4 =	sld [smem:$0x3FB3]  }
0x2a: {  	p0 =	seq.s32 s5, $0x0;
	s5 =	sld [smem:$0x3FB4]  }
0x2b: {  	s6 =	sld [smem:$0x3FB5]  }
0x2c: {  	s7 =	sld [smem:$0x3FB6]  }
0x2d: {  	s3 =	simm.s32 $0x108;
	s8 =	sld [smem:$0x3FB7]  }
0x2e: {  	s3 =	simm.s32 @!p0 $0x1082;
	s9 =	sld [smem:$0x3FB8]  }
0x2f: {  	lr =	sadd.s32 s0, s3;
	s0 =	sld [smem:$0x3FAF]  }
0x30: {  	s3 =	sld [smem:$0x3FB2]  }
0x31: {  	[smem:$0x3FBB] =	sst s10  }
0x32: {  	s10 =	sld [smem:$0x3FB9];
	_ =	sdelay $0x3  }
0x33: {  	p0 =	seq.s32 s10, $0x1;
	s10 =	sld [smem:$0x3FBB];
	_ =	sdelay $0x3  }
0x34: {  	[smem:$0x3FBB] =	sst s10  }
0x35: {  	s10 =	sld [smem:$0x3FBA];
	_ =	sdelay $0x3  }
0x36: {  	p1 =	seq.s32 s10, $0x1;
	s10 =	sld [smem:$0x3FBB];
	_ =	sdelay $0x3  }
0x37: {  	[smem:$0x3FBB] =	sst s10  }
0x38: {  	s10 =	sld [smem:$0x3FBC]  }
0x39: {  	_ = 	snop;
	(pc) =	sbr.ind lr, $3  }
0x3a: {  	_ = 	snop  }
0x3b: {  	_ = 	snop  }
0x3c: {  	p2 =	seq.s32 s10, $0x1;
	s10 =	sld [smem:$0x3FBB]  }
0x3d: {  	_ =	shalt  }
0x3e: {  	_ =	shalt  }
0x3f: {  	_ =	shalt  }
0x40: {  	_ =	shalt  }
0x41: {  	_ =	shalt  }
0x42: {  	_ =	shalt  }
0x43: {  	_ =	shalt  }
0x44: {  	_ =	shalt  }
0x45: {  	_ =	shalt  }
0x46: {  	_ =	shalt  }
0x47: {  	_ =	shalt  }
0x48: {  	_ =	shalt  }
0x49: {  	_ =	shalt  }
0x4a: {  	_ =	shalt  }
0x4b: {  	_ =	shalt  }
0x4c: {  	_ =	shalt  }
0x4d: {  	_ =	shalt  }
0x4e: {  	_ =	shalt  }
0x4f: {  	_ =	shalt  }
0x50: {  	_ =	shalt  }
0x51: {  	_ =	shalt  }
0x52: {  	_ =	shalt  }
0x53: {  	_ =	shalt  }
0x54: {  	_ =	shalt  }
0x55: {  	_ =	shalt  }
0x56: {  	_ =	shalt  }
0x57: {  	_ =	shalt  }
0x58: {  	_ =	shalt  }
0x59: {  	_ =	shalt  }
0x5a: {  	_ =	shalt  }
0x5b: {  	_ =	shalt  }
0x5c: {  	_ =	shalt  }
0x5d: {  	_ =	shalt  }
0x5e: {  	_ =	shalt  }
0x5f: {  	_ =	shalt  }
0x60: {  	_ =	shalt  }
0x61: {  	_ =	shalt  }
0x62: {  	_ =	shalt  }
0x63: {  	_ =	shalt  }
0x64: {  	_ =	shalt  }
0x65: {  	_ =	shalt  }
0x66: {  	_ =	shalt  }
0x67: {  	_ =	shalt  }
0x68: {  	_ =	shalt  }
0x69: {  	_ =	shalt  }
0x6a: {  	_ =	shalt  }
0x6b: {  	_ =	shalt  }
0x6c: {  	_ =	shalt  }
0x6d: {  	_ =	shalt  }
0x6e: {  	_ =	shalt  }
0x6f: {  	_ =	shalt  }
0x70: {  	_ =	shalt  }
0x71: {  	_ =	shalt  }
0x72: {  	_ =	shalt  }
0x73: {  	_ =	shalt  }
0x74: {  	_ =	shalt  }
0x75: {  	_ =	shalt  }
0x76: {  	_ =	shalt  }
0x77: {  	_ =	shalt  }
0x78: {  	_ =	shalt  }
0x79: {  	_ =	shalt  }
0x7a: {  	_ =	shalt  }
0x7b: {  	_ =	shalt  }
0x7c: {  	_ =	shalt  }
0x7d: {  	_ =	shalt  }
0x7e: {  	_ =	shalt  }
0x7f: {  	_ =	shalt  }
0x80: {  	_ =	shalt  }
0x81: {  	_ =	shalt  }
0x82: {  	_ =	shalt  }
0x83: {  	_ =	shalt  }
0x84: {  	_ =	shalt  }
0x85: {  	_ =	shalt  }
0x86: {  	_ =	shalt  }
0x87: {  	_ =	shalt  }
.Lfunc_end0:
.L_simem_size_0:
called_computation_lowered:
.L_overlay_start_0:
0x88: {  	s2 =	sld [smem:$0x3FD9]  }
0x89: {  	s3 =	sld [smem:$0x3FFE];
	_ =	sdelay $0x1  }
0x8a: {  	s1 =	srdreg.scid  }
0x8b: {  	s0 =	sand.u32 $0x1, s1  }
0x8c: {  	s17 =	sshll.u32 s0, $0xA;
	s2 =	sadd.s32 s3, s2  }
0x8d: {  	s2 =	sadd.s32 s2, s17  }
0x8e: {  	[smem:$0x3FC7] =	sst s2  }
0x8f: {  	_ = 	snop  }
0x90: {  	s2 =	sld [smem:$0x3FC9];
	(tm) =	ssettm $0x1  }
0x91: {  	s18 =	sld [smem:$0x3FFB];
	_ =	sdelay $0x3  }
0x92: {  	_ =	strace s18  }
0x93: {  	s3 =	sld [smem:$0x3FFC];
	_ =	sdelay $0x3  }
0x94: {  	_ =	strace s3  }
0x95: {  	s3 =	sld [smem:$0x3FFD];
	_ =	sdelay $0x3  }
0x96: {  	_ =	strace s3  }
0x97: {  	_ =	strace $0x8FFFFFFF  }
0x98: {  	s19 =	sld [smem:$0x3FDB];
	_ =	sdelay $0x1  }
0x99: {  	s4 =	simm.s32 $_scs_section_size  }
0x9a: {  	s5 =	simm.s32 $_size__tile_overlayer_lowered;
	s6 =	simm.s32 $_tile_overlayer_lowered  }
0x9b: {  	s22 =	simm.s32 $0x1BFF;
	s21 =	sshll.u32 s6, $0x1;
	s3 =	sadd.s32 s4, s19  }
0x9c: {  	s7 =	simm.s32 $0x0;
	s20 =	sshll.u32 s5, $0x1;
	s5 =	sadd.s32 s21, s3  }
0x9d: {  	[timem:s7], [sflag:s22] =	dma.local [hbm:s5], s20  }
0x9e: {  	_ =	swait.ge [sflag:s22], s20  }
0x9f: {  	s4 =	ssub.s32 $0x0, s20;
	[sflag:s22] =	ssyncset.done $0x0  }
0xa0: {  	[sflag:s22] =	ssyncadd.s32 s4;
	_ =	sdelay $0x1  }
0xa1: {  	s23 =	simm.s32 $0x1B8B  }
0xa2: {  	_ =	swait.ge [sflag:s23], $0x1  }
0xa3: {  	[sflag:s23] =	ssyncset.done $0x0  }
0xa4: {  	s25 =	simm.s32 $0x1B8E;
	s24 =	sld [smem:$0x3FFE];
	[sflag:s23] =	ssyncadd.s32 $0xFFFFFFFF  }
0xa5: {  	s26 =	simm.s32 $execute0_lowered;
	[smem:$0x3FD2] =	sst s25  }
0xa6: {  	s5 =	sshll.u32 s26, $0x1;
	_ =	strace $0x80000046;
	[dreg:$0x1] =	wrdreg $0xFFFFFFFF  }
0xa7: {  	s28 =	simm.s32 $_size_execute0_lowered;
	s3 =	sadd.s32 s3, s5;
	[dreg:$0x0] =	wrdreg $0x0  }
0xa8: {  	s5 =	sshll.u32 s28, $0x1;
	[dreg:$0x2] =	wrdreg s3  }
0xa9: {  	[dreg:$0x3] =	wrdreg s5  }
0xaa: {  	[dreg:$0x4] =	wrdreg $0xC0  }
0xab: {  	_ =	task [dreg:s7], $0x5FFFF  }
0xac: {  	[dreg:$0x1] =	wrdreg $0xFFFFFFFF  }
0xad: {  	[dreg:$0x0] =	wrdreg $0x60  }
0xae: {  	[dreg:$0x2] =	wrdreg s2  }
0xaf: {  	[dreg:$0x3] =	wrdreg s24  }
0xb0: {  	[dreg:$0x4] =	wrdreg $0x9  }
0xb1: {  	_ =	task.clear_ibuf [dreg:s7], $0x5FFFF;
	_ =	strace $0x90000046  }
0xb2: {  	s29 =	simm.s32 $0x9;
	_ =	strace $0x80000048  }
0xb3: {  	_ =	swait.ge [sflag:s29], $0x1  }
0xb4: {  	[sflag:s29] =	ssyncadd.s32 $0xFFFFFFFF  }
0xb5: {  	_ =	strace $0x90000048  }
0xb6: {  	_ =	sfence  }
0xb7: {  	s30 =	sld [smem:$0x0];
	_ =	sdelay $0x2  }
0xb8: {  	s31 =	sshll.u32 s1, $0xD;
	s1 =	sshrl.u32 s1, $0x2  }
0xb9: {  	s3 =	sand.u32 $0x4000, s31;
	s1 =	sadd.s32 s1, s30  }
0xba: {  	s0 =	sor.u32 s3, s0;
	s1 =	sshll.u32 s1, $0x11  }
0xbb: {  	s0 =	sor.u32 s1, s0  }
0xbc: {  	s0 =	sadd.s32 $0x8F2B, s0  }
0xbd: {  	[sflag:s0] =	ssyncadd.remote.s32 $0x1  }
0xbe: {  	_ =	sfence.sel $0xFFFF  }
0xbf: {  	[dreg:$0x0] =	wrdreg $0xFFFFFFFF;
	(pc) =	sbr.abs _section_cstart, $3  }
0xc0: {  	[dreg:$0x1] =	wrdreg $0xFFFFFFFF  }
0xc1: {  	_ =	task.clear_ibuf [dreg:s7], $0x2FFFF;
	_ =	strace $0x9FFFFFFF  }
0xc2: {  	(tm) =	ssettm $0x7FFFFFFF  }
0xc3: {  	_ =	shalt  }
tec
execute0_lowered:
.L_overlay_start_1:
0x0: {  	(tag) =	ssettag $0x1  }
0x1: {  	s1 =	srdreg.scid  }
0x2: {  	s5 =	rddreg [dreg:$0x0];
	s0 =	stileid.u32  }
0x3: {  	s8 =	rddreg [dreg:$0x1];
	s2 =	simm.s32 $0x0;
	s10 =	simm.s32 $0x80  }
0x4: {  	s11 =	simm.s32 $0x400;
	s12 =	simm.s32 $0x2000;
	s13 =	simm.s32 $0x1  }
0x5: {  	s14 =	simm.s32 $0x4000;
	s15 =	simm.s32 $0x2;
	s4 =	sand.u32 $0x1, s1  }
0x6: {  	s16 =	simm.s32 $0x4080;
	s3 =	sshll.u32 s0, $0x2;
	s6 =	sshll.u32 s4, $0x1  }
0x7: {  	s17 =	simm.s32 $0x0;
	[smem:$0x7FF] =	sst s2;
	s3 =	sor.u32 s6, s3  }
0x8: {  	s29 =	sshll.u32 s0, $0xC;
	s31 =	sshll.u32 s0, $0x6;
	s7 =	sshll.u32 s3, $0x4  }
0x9: {  	v0 =	vlaneseq.u32;
	_ =	strace $0x80000047;
	s9 =	ssub.s32 $0x2, s4;
	s6 =	sor.u32 s29, s7  }
0xa: {  	vm6 =	vcmask $0x3F0C;
	vm7 =	vcmask $0x3F08;
	vm12 =	vcmask $0x1318;
	s4 =	sadd.s32 $0x400, s8;
	s30 =	sshrl.u32 s9, $0x1;
	s6 =	sand.u32 $0xE060, s6  }
0xb: {  	vm13 =	vcmask $0x171C;
	vm14 =	vcmask $0x1B20;
	vm15 =	vcmask $0x1F24;
	s8 =	sadd.s32 $0x800, s8;
	s9 =	ssub.s32 s9, s30;
	s5 =	sadd.s32 s5, s6  }
0xc: {  	v1 =	vor.u32 $0x10, v0;
	v2 =	vor.u32 $0x30, v0;
	v3 =	vor.u32 $0x20, v0;
	s7 =	sand.u32 $0x380, s31;
	s9 =	smax.u32 s9, $0x1;
	s6 =	sadd.s32 $0x10, s5  }
.LBB2_1:
0xd: {  	[tilespmem:s2], [sflag:$0x1] =	stream.strided.gather [hbm4b:s5+s10], $0x2000, s11, s10, $0x38;
	[tilespmem:$0x4100] =	vst v63  }
0xe: {  	_ = 	snop  }
0xf: {  	[tilespmem:s12], [sflag:$0x1] =	stream.strided.gather [hbm4b:s6+s10], $0x2000, s11, s10, $0x38;
	[tilespmem:$0x4100] =	vst v63  }
0x10: {  	_ =	swait.ge [sflag:s13], $0x2000  }
0x11: {  	[sflag:s13] =	ssyncset.done $0x0  }
0x12: {  	[sflag:s13] =	ssyncadd.s32 $0xFFFFE000  }
0x13: {  	_ =	swait.ge [sflag:s13], $0x2000  }
0x14: {  	[sflag:s13] =	ssyncset.done $0x0  }
0x15: {  	p1 =	por $0x1, $0x1;
	s18 =	simm.s32 $0x0;
	[sflag:s13] =	ssyncadd.s32 $0xFFFFE000  }
.LBB2_2:
0x16: {  	s19 =	sshll.u32 s18, $0xD  }
0x17: {  	s20 =	sand.u32 $0x3FFFE000, s19  }
0x18: {  	s21 =	sor.u32 $0x80, s20  }
0x19: {  	v5 =	vld [tilespmem:s21+$0xFFFFFF90]  }
0x1a: {  	v6 =	vld [tilespmem:s21+$0xFFFFFFB0]  }
0x1b: {  	v7 =	vld [tilespmem:s21+$0x20]  }
0x1c: {  	v8 =	vld [tilespmem:s21+$0x30]  }
0x1d: {  	v9 =	vld [tilespmem:s21+$0xFFFFFFA0]  }
0x1e: {  	v10 =	vld [tilespmem:s21+$0xFFFFFF80]  }
0x1f: {  	v4 =	vimm.f32 $-Inf;
	v13 =	vld [tilespmem:s21+$0x10]  }
0x20: {  	v15 =	vimm.s32 $0x0;
	v34 =	vimm.f32 $-Inf;
	v33 =	vimm.s32 $0x0;
	v14 =	vld [tilespmem:s21+$0x0]  }
0x21: {  	v31 =	vimm.f32 $-Inf;
	v27 =	vimm.f32 $-Inf;
	v32 =	vimm.f32 $-Inf;
	s1 =	sadd.s32 $0xC0, s19  }
0x22: {  	v28 =	vimm.s32 $0x0;
	v29 =	vimm.f32 $-Inf;
	v30 =	vimm.s32 $0x0;
	s22 =	sadd.s32 $0xFFFFFF80, s1;
	v11 =	vld [tilespmem:s21+$0xFFFFFFC0]  }
0x23: {  	v26 =	vimm.s32 $0x0;
	v12 =	vld [tilespmem:s21+$0x40];
	s24 =	sor.u32 $0x50, s22;
	vm0 =	vge.f32 v7, v8;
	v7 =	vmax.f32 v7, v8  }
0x24: {  	s26 =	sor.u32 $0x60, s1;
	v17 =	vld [tilespmem:s24+$0x0];
	vm1 =	vge.f32 v9, v6;
	v6 =	vmax.f32 v9, v6;
	v8 =	vmax.f32 v10, v5  }
0x25: {  	s25 =	sor.u32 $0x60, s22;
	v22 =	vld [tilespmem:s26+$0x0];
	vm2 =	vge.f32 v10, v5;
	vm3 =	vge.f32 v14, v13;
	v13 =	vmax.f32 v14, v13  }
0x26: {  	s22 =	sor.u32 $0x70, s22;
	v18 =	vld [tilespmem:s25+$0x0];
	v10 =	vsel vm1, v3, v2;
	v16 =	vmax.f32 v8, v6;
	v19 =	vsel vm2, v0, v1  }
0x27: {  	s23 =	sor.u32 $0x50, s1;
	v20 =	vld [tilespmem:s22+$0x0];
	vm2 =	vge.f32 v8, v6;
	v21 =	vsel vm0, v3, v2;
	v23 =	vsel vm3, v0, v1  }
0x28: {  	s20 =	sor.u32 $0x70, s1;
	v9 =	vld [tilespmem:s23+$0x0];
	vm8 =	vge.f32 v13, v7;
	v38 =	vmax.f32 v13, v7;
	v8 =	vmin.f32 v16, v4  }
0x29: {  	v14 =	vld [tilespmem:s20+$0x0];
	v6 =	vmax.f32 v16, v4;
	v10 =	vsel vm2, v19, v10;
	v19 =	vmax.f32 v11, v17  }
0x2a: {  	vm2 =	vge.f32 v11, v17;
	vm4 =	vgt.f32 v16, v4;
	v17 =	vmax.f32 v38, v4  }
0x2b: {  	s28 =	simm.s32 $0x0;
	vm1 =	vgt.f32 v8, v4;
	v5 =	vmax.f32 v8, v4;
	v8 =	vmin.f32 v8, v4  }
0x2c: {  	v25 =	vor.u32 s28, v10;
	v10 =	vmax.f32 v18, v20;
	v16 =	vsel vm2, v0, v1  }
0x2d: {  	vm0 =	vgt.f32 v8, v4;
	vm2 =	vge.f32 v19, v10;
	v36 =	vmax.f32 v19, v10  }
0x2e: {  	vm3 =	vge.f32 v12, v9;
	vm5 =	vge.f32 v22, v14;
	v7 =	vmin.f32 v36, v4  }
0x2f: {  	v9 =	vmax.f32 v12, v9;
	v12 =	vmax.f32 v22, v14;
	v22 =	vimm.s32 $0x0  }
0x30: {  	v24 =	vsel vm3, v0, v1;
	vm3 =	vge.f32 v18, v20;
	v41 =	vmax.f32 v9, v12  }
0x31: {  	v14 =	vsel vm5, v3, v2;
	v40 =	vmin.f32 v7, v4;
	v20 =	vimm.s32 $0x0  }
0x32: {  	v11 =	vsel vm3, v3, v2;
	vm3 =	vgt.f32 v36, v4;
	v19 =	vmax.f32 v41, v4  }
0x33: {  	s29 =	simm.s32 $0x40;
	v10 =	vsel vm2, v16, v11;
	v16 =	vsel vm4, v15, v25;
	vm2 =	vgt.f32 v38, v4  }
0x34: {  	v39 =	vor.u32 s29, v10;
	v10 =	vsel vm4, v25, v15;
	vm4 =	vge.f32 v9, v12  }
0x35: {  	v9 =	vsel vm8, v23, v21;
	v13 =	vsel vm1, v15, v16;
	v21 =	vimm.f32 $-Inf  }
0x36: {  	s31 =	simm.s32 $0x80;
	v25 =	vimm.f32 $-Inf;
	v23 =	vimm.s32 $0x0;
	v11 =	vsel vm3, v39, v15  }
0x37: {  	s30 =	simm.s32 $0xC0;
	v12 =	vsel vm4, v24, v14;
	vm4 =	vgt.f32 v41, v4;
	v35 =	vor.u32 s31, v9  }
0x38: {  	v9 =	vmax.f32 v40, v4;
	v24 =	vimm.f32 $-Inf;
	v12 =	vor.u32 s30, v12  }
0x39: {  	v14 =	vimm.s32 $0x0;
	v37 =	vsel vm4, v15, v12;
	v18 =	vsel vm4, v12, v15  }
0x3a: {  	p0 =	por p1, p1;
	s21 =	sadd.s32 $0x100, s21;
	s20 =	simm.s32 $0x1C0;
	vm4 =	vgt.f32 v7, v4;
	v12 =	vmax.f32 v7, v4;
	v7 =	vimm.s32 $0x0  }
.LBB2_3:
0x3b: {  	s24 =	sadd.s32 s20, s19;
	v4 =	vmax.f32 v8, v4;
	v8 =	vsel vm2, v15, v35  }
0x3c: {  	v42 =	vld [tilespmem:s21+$0xFFFFFFC0];
	p1 =	sne.s32 s20, $0x1FC0;
	v41 =	vmin.f32 v41, v34;
	v43 =	vmovc v6;
	v44 =	vmovc v5;
	v45 =	vmov v10;
	v34 =	vmov v19;
	s22 =	smov.u32 s20;
	s20 =	sadd.s32 $0x100, s20  }
0x3d: {  	v39 =	vsel vm3, v33, v39;
	v33 =	vmovc v11;
	v46 =	vld [tilespmem:s21+$0xFFFFFF90];
	s25 =	sadd.s32 $0xFFFFFF80, s24;
	s26 =	sor.u32 $0x50, s24;
	s23 =	sor.u32 $0x60, s24;
	vm3 =	vgt.f32 v41, v21;
	v47 =	vmin.f32 v41, v21  }
0x3e: {  	v38 =	vmin.f32 v38, v31;
	v31 =	vmovc v17;
	s24 =	sor.u32 $0x70, s24;
	v48 =	vld [tilespmem:s21+$0xFFFFFFB0];
	s28 =	sor.u32 $0x50, s25;
	s29 =	sor.u32 $0x60, s25;
	v49 =	vsel vm3, v20, v37;
	vm5 =	vgt.f32 v47, v27  }
0x3f: {  	vm8 =	vgt.f32 v40, v32;
	v32 =	vmovc v9;
	s25 =	sor.u32 $0x70, s25;
	v27 =	vmax.f32 v47, v27;
	v50 =	vld [tilespmem:s21+$0x20];
	v28 =	vsel vm5, v49, v28  }
0x40: {  	v29 =	vmax.f32 v36, v29;
	v36 =	vsel vm4, v22, v39;
	vm5 =	vgt.f32 v38, v24;
	v40 =	vld [tilespmem:s21+$0x30]  }
0x41: {  	v30 =	vsel vm8, v36, v30;
	v36 =	vmin.f32 v38, v24;
	v49 =	vsel vm5, v26, v8;
	v47 =	vld [tilespmem:s21+$0xFFFFFFA0]  }
0x42: {  	v7 =	vsel vm0, v13, v7;
	vm0 =	vgt.f32 v36, v25;
	v26 =	vsel vm5, v8, v26;
	v51 =	vld [tilespmem:s21+$0xFFFFFF80]  }
0x43: {  	v14 =	vsel vm1, v16, v14;
	v24 =	vmax.f32 v38, v24;
	v25 =	vmax.f32 v36, v25;
	v13 =	vld [tilespmem:s21+$0x40]  }
0x44: {  	v22 =	vsel vm4, v39, v22;
	v21 =	vmax.f32 v41, v21;
	v20 =	vsel vm3, v37, v20;
	v16 =	vld [tilespmem:s21+$0x10]  }
0x45: {  	v23 =	vsel vm0, v49, v23;
	v36 =	vld [tilespmem:s29+$0x0];
	vm3 =	vge.f32 v50, v40;
	v37 =	vmax.f32 v50, v40  }
0x46: {  	v15 =	vsel vm2, v35, v15;
	vm0 =	vge.f32 v47, v48;
	v8 =	vmax.f32 v47, v48;
	v38 =	vld [tilespmem:s21+$0x0]  }
0x47: {  	vm1 =	vge.f32 v51, v46;
	v35 =	vmax.f32 v51, v46;
	v39 =	vsel vm0, v3, v2;
	v40 =	vld [tilespmem:s26+$0x0]  }
0x48: {  	v41 =	vsel vm1, v0, v1;
	vm2 =	vge.f32 v35, v8;
	v35 =	vmax.f32 v35, v8;
	v46 =	vld [tilespmem:s28+$0x0]  }
0x49: {  	v8 =	vmin.f32 v35, v43;
	v6 =	vmax.f32 v35, v6;
	v47 =	vld [tilespmem:s25+$0x0]  }
0x4a: {  	v48 =	vsel vm3, v3, v2;
	vm1 =	vgt.f32 v8, v44;
	v5 =	vmax.f32 v8, v5;
	v49 =	vld [tilespmem:s23+$0x0]  }
0x4b: {  	v8 =	vmin.f32 v8, v44;
	vm3 =	vge.f32 v38, v16;
	v16 =	vmax.f32 v38, v16;
	v44 =	vld [tilespmem:s24+$0x0]  }
0x4c: {  	vm0 =	vgt.f32 v8, v4;
	v50 =	vsel vm3, v0, v1;
	vm3 =	vge.f32 v13, v40  }
0x4d: {  	s23 =	sadd.s32 $0xFFFFFF40, s22;
	v38 =	vsel vm2, v41, v39;
	v39 =	vmax.f32 v42, v46;
	v51 =	vsel vm3, v0, v1  }
0x4e: {  	v41 =	vor.u32 s23, v38;
	vm2 =	vge.f32 v42, v46;
	vm3 =	vge.f32 v36, v47  }
0x4f: {  	vm4 =	vgt.f32 v35, v43;
	v35 =	vmax.f32 v36, v47;
	v38 =	vsel vm3, v3, v2  }
0x50: {  	v42 =	vsel vm2, v0, v1;
	vm2 =	vge.f32 v39, v35;
	vm5 =	vge.f32 v49, v44  }
0x51: {  	s23 =	sadd.s32 $0xFFFFFF80, s22;
	vm8 =	vge.f32 v16, v37;
	v36 =	vmax.f32 v39, v35;
	v35 =	vsel vm2, v42, v38  }
0x52: {  	vm3 =	vgt.f32 v36, v29;
	v38 =	vmax.f32 v16, v37;
	v39 =	vor.u32 s23, v35  }
0x53: {  	v13 =	vmax.f32 v13, v40;
	v10 =	vsel vm4, v41, v10;
	v42 =	vmin.f32 v36, v29  }
0x54: {  	v16 =	vsel vm4, v45, v41;
	vm2 =	vgt.f32 v38, v17;
	v35 =	vmax.f32 v49, v44  }
0x55: {  	v17 =	vmax.f32 v38, v17;
	v11 =	vsel vm3, v39, v11;
	v41 =	vmax.f32 v13, v35  }
.Ltmp0:
0x56: {  	v37 =	vsel vm8, v50, v48;
	s23 =	sadd.s32 $0xFFFFFFC0, s22;
	v40 =	vsel vm5, v3, v2;
	vm4 =	vge.f32 v13, v35;
	(pc) =	sbr.rel @p1 .LBB2_3-.Ltmp0, $4  }
0x57: {  	v13 =	vsel vm1, v14, v16;
	v35 =	vor.u32 s23, v37;
	v37 =	vsel vm4, v51, v40  }
0x58: {  	v40 =	vmin.f32 v42, v12;
	vm4 =	vgt.f32 v41, v19;
	v43 =	vor.u32 s22, v37  }
0x59: {  	v9 =	vmax.f32 v40, v9;
	v37 =	vsel vm4, v18, v43;
	v18 =	vsel vm4, v43, v18  }
0x5a: {  	s21 =	sadd.s32 $0x100, s21;
	v19 =	vmax.f32 v41, v19;
	vm4 =	vgt.f32 v42, v12;
	v12 =	vmax.f32 v42, v12  }
0x5b: {  	v34 =	vmin.f32 v41, v34;
	v33 =	vsel vm3, v33, v39  }
0x5c: {  	v31 =	vmin.f32 v38, v31;
	vm8 =	vgt.f32 v40, v32;
	v61 =	vsel vm2, v15, v35  }
0x5d: {  	v43 =	vsel vm2, v35, v15;
	vm5 =	vgt.f32 v34, v21;
	v59 =	vmin.f32 v34, v21  }
0x5e: {  	v62 =	vsel vm4, v22, v33;
	vm11 =	vgt.f32 v31, v24;
	v63 =	vmin.f32 v31, v24  }
0x5f: {  	v31 =	vmax.f32 v31, v24;
	v22 =	vsel vm4, v33, v22;
	v41 =	vmax.f32 v34, v21  }
0x60: {  	v60 =	vsel vm5, v20, v37;
	vm3 =	vgt.f32 v59, v27;
	v39 =	vmax.f32 v59, v27  }
0x61: {  	v27 =	vsel vm8, v62, v30;
	v38 =	vsel vm3, v60, v28;
	v28 =	vmax.f32 v36, v29  }
0x62: {  	v40 =	vsel vm11, v61, v26;
	vm8 =	vlt.s32 v11, v10;
	vm3 =	veq.f32 v28, v6  }
0x63: {  	vm9 =	vgt.f32 v63, v25;
	vm10 =	vgt.f32 v28, v6;
	vm3 =	vmand vm3, vm8  }
0x64: {  	v42 =	vsel vm5, v37, v20;
	v36 =	vsel vm11, v26, v61;
	vm3 =	vmor vm10, vm3  }
0x65: {  	v29 =	vmax.f32 v63, v25;
	v24 =	vsel vm3, v28, v6;
	v25 =	vsel vm3, v11, v10  }
0x66: {  	v23 =	vsel vm9, v36, v23;
	vm4 =	veq.f32 v12, v24;
	vm8 =	vlt.s32 v22, v25  }
0x67: {  	vm5 =	vgt.f32 v12, v24;
	vm4 =	vmand vm4, vm8;
	vm8 =	vgt.f32 v19, v17  }
0x68: {  	vm2 =	vmor vm5, vm4;
	vm4 =	veq.f32 v19, v17;
	vm5 =	vlt.s32 v18, v43  }
0x69: {  	v15 =	vsel vm2, v12, v24;
	v20 =	vsel vm2, v22, v25;
	vm4 =	vmand vm4, vm5  }
0x6a: {  	vm5 =	vgt.f32 v9, v15;
	vm9 =	veq.f32 v9, v15;
	vm8 =	vmor vm8, vm4  }
0x6b: {  	vm4 =	vlt.s32 v27, v20;
	v44 =	vsel vm8, v17, v19;
	v45 =	vsel vm8, v43, v18  }
0x6c: {  	vm4 =	vmand vm9, vm4;
	v46 =	vsel vm8, v19, v17;
	v47 =	vsel vm8, v18, v43  }
0x6d: {  	vm9 =	veq.f32 v44, v31;
	vm10 =	vlt.s32 v45, v40;
	vm4 =	vmor vm5, vm4  }
0x6e: {  	vm5 =	vgt.f32 v44, v31;
	vm8 =	veq.f32 v41, v46;
	vm9 =	vmand vm9, vm10  }
0x6f: {  	vm11 =	vgt.f32 v41, v46;
	v35 =	vsel vm4, v9, v15;
	vm5 =	vmor vm5, vm9  }
0x70: {  	v36 =	vsel vm4, v27, v20;
	vm9 =	vlt.s32 v42, v47;
	v48 =	vsel vm5, v31, v44  }
0x71: {  	v49 =	vsel vm5, v40, v45;
	v31 =	vsel vm5, v44, v31;
	v26 =	vsel vm5, v45, v40  }
0x72: {  	vm8 =	vmand vm8, vm9;
	vm5 =	veq.f32 v48, v29;
	vm10 =	vlt.s32 v49, v23  }
0x73: {  	vm9 =	vgt.f32 v48, v29;
	vm8 =	vmor vm11, vm8;
	vm5 =	vmand vm5, vm10  }
0x74: {  	v50 =	vsel vm8, v46, v41;
	v51 =	vsel vm8, v47, v42;
	vm5 =	vmor vm9, vm5  }
0x75: {  	vm9 =	veq.f32 v50, v31;
	vm10 =	vlt.s32 v51, v26;
	v19 =	vsel vm5, v48, v29  }
0x76: {  	v23 =	vsel vm5, v49, v23;
	vm5 =	vgt.f32 v50, v31;
	vm9 =	vmand vm9, vm10  }
0x77: {  	v17 =	vsel vm8, v41, v46;
	v18 =	vsel vm8, v42, v47;
	vm5 =	vmor vm5, vm9  }
0x78: {  	vm8 =	vlt.s32 v38, v18;
	v52 =	vsel vm5, v31, v50;
	v53 =	vsel vm5, v26, v51  }
0x79: {  	v54 =	vsel vm5, v50, v31;
	v26 =	vsel vm5, v51, v26;
	vm5 =	veq.f32 v39, v17  }
0x7a: {  	vm10 =	vgt.f32 v39, v17;
	vm9 =	vgt.f32 v52, v19;
	vm5 =	vmand vm5, vm8  }
0x7b: {  	vm8 =	veq.f32 v52, v19;
	vm11 =	vlt.s32 v53, v23;
	vm5 =	vmor vm10, vm5  }
0x7c: {  	vm8 =	vmand vm8, vm11;
	v55 =	vsel vm5, v17, v39;
	v32 =	vsel vm5, v18, v38  }
0x7d: {  	vm8 =	vmor vm9, vm8;
	v17 =	vsel vm5, v39, v17;
	v18 =	vsel vm5, v38, v18  }
0x7e: {  	vm9 =	veq.f32 v55, v54;
	vm10 =	vlt.s32 v32, v26;
	v19 =	vsel vm8, v52, v19  }
0x7f: {  	vm11 =	vgt.f32 v55, v54;
	v56 =	vsel vm8, v53, v23;
	vm9 =	vmand vm9, vm10  }
0x80: {  	vm5 =	veq.f32 v17, v35;
	vm8 =	vmor vm11, vm9;
	vm9 =	vlt.s32 v18, v36  }
0x81: {  	v57 =	vsel vm8, v54, v55;
	v58 =	vsel vm8, v26, v32;
	v30 =	vsel vm8, v55, v54  }
0x82: {  	v26 =	vsel vm8, v32, v26;
	vm8 =	vgt.f32 v17, v35;
	vm5 =	vmand vm5, vm9  }
0x83: {  	vm9 =	vgt.f32 v57, v19;
	vm10 =	veq.f32 v57, v19;
	vm8 =	vmor vm8, vm5  }
0x84: {  	vm5 =	vlt.s32 v58, v56;
	v59 =	vsel vm8, v17, v35;
	v60 =	vsel vm8, v18, v36  }
0x85: {  	vm5 =	vmand vm10, vm5;
	vm10 =	veq.f32 v30, v59;
	vm11 =	vlt.s32 v26, v60  }
0x86: {  	vm5 =	vmor vm9, vm5;
	vm9 =	vmand vm10, vm11;
	vm10 =	vgt.f32 v30, v59  }
0x87: {  	v19 =	vsel vm5, v57, v19;
	vm11 =	vmor vm10, vm9  }
0x88: {  	v21 =	vsel vm5, v58, v56;
	v61 =	vsel vm11, v30, v59;
	v62 =	vsel vm11, v26, v60  }
0x89: {  	vm5 =	veq.f32 v19, v61;
	vm9 =	vlt.s32 v21, v62  }
0x8a: {  	vm5 =	vmand vm5, vm9;
	vm9 =	vgt.f32 v19, v61  }
0x8b: {  	vm10 =	vmor vm9, vm5  }
0x8c: {  	v63 =	vsel vm10, v19, v61  }
0x8d: {  	(xrf0) =	vmax.scan.msk.f32 $0xffff, v63;
	_ =	sdelay $0x5  }
0x8e: {  	v41, _, _ =	vpop (xrf0)  }
0x8f: {  	v43 =	vbroadcast v41, $0xF  }
0x90: {  	v44 =	vsel vm10, v21, v62  }
0x91: {  	v14 =	vsel vm1, v16, v14;
	v45 =	vxor.u32 $0x80000000, v44;
	vm1 =	veq.f32 v63, v43  }
0x92: {  	v40 =	vsel vm3, v6, v28;
	v28 =	vnsel vm1, $0xC0000000, v45  }
0x93: {  	(xrf0) =	vmin.scan.msk.u32 $0xffff, v28  }
0x94: {  	v42 =	vsel vm3, v10, v11  }
0x95: {  	vm9 =	veq.f32 v40, v5;
	vm5 =	vlt.s32 v42, v14  }
0x96: {  	vm3 =	vgt.f32 v40, v5;
	vm5 =	vmand vm9, vm5  }
0x97: {  	v22 =	vsel vm2, v25, v22;
	vm9 =	vmor vm3, vm5  }
0x98: {  	v48 =	vsel vm2, v24, v12;
	v46 =	vsel vm9, v40, v5;
	v47 =	vsel vm9, v42, v14  }
0x99: {  	vm2 =	veq.f32 v48, v46;
	vm3 =	vlt.s32 v22, v47;
	v49, _, _ =	vpop (xrf0)  }
0x9a: {  	vm2 =	vmand vm2, vm3;
	vm3 =	vgt.f32 v48, v46;
	(v2sf) =	vpush v49, $0xF  }
0x9b: {  	v15 =	vsel vm4, v15, v9;
	vm5 =	vmor vm3, vm2  }
0x9c: {  	v20 =	vsel vm4, v20, v27;
	v24 =	vsel vm5, v48, v46;
	v25 =	vsel vm5, v22, v47  }
0x9d: {  	vm2 =	veq.f32 v15, v24;
	vm3 =	vlt.s32 v20, v25  }
0x9e: {  	vm2 =	vmand vm2, vm3;
	vm3 =	vgt.f32 v15, v24  }
0x9f: {  	v17 =	vsel vm8, v35, v17;
	vm4 =	vmor vm3, vm2  }
0xa0: {  	v18 =	vsel vm8, v36, v18;
	v50 =	vsel vm4, v15, v24;
	v51 =	vsel vm4, v20, v25  }
0xa1: {  	vm2 =	veq.f32 v17, v50;
	vm3 =	vlt.s32 v18, v51  }
0xa2: {  	vm2 =	vmand vm2, vm3;
	vm3 =	vgt.f32 v17, v50  }
0xa3: {  	v30 =	vsel vm11, v59, v30;
	vm2 =	vmor vm3, vm2  }
0xa4: {  	v26 =	vsel vm11, v60, v26;
	v35 =	vsel vm2, v17, v50;
	v36 =	vsel vm2, v18, v51  }
0xa5: {  	vm3 =	veq.f32 v30, v35;
	vm8 =	vlt.s32 v26, v36  }
0xa6: {  	vm3 =	vmand vm3, vm8;
	vm8 =	vgt.f32 v30, v35  }
0xa7: {  	v19 =	vsel vm10, v61, v19;
	vm3 =	vmor vm8, vm3  }
0xa8: {  	v21 =	vsel vm10, v62, v21;
	v31 =	vsel vm3, v30, v35;
	v32 =	vsel vm3, v26, v36  }
0xa9: {  	vm8 =	veq.f32 v19, v31;
	vm10 =	vlt.s32 v21, v32;
	s28 =	spop (v2sf)  }
0xaa: {  	vm8 =	vmand vm8, vm10;
	vm10 =	vgt.f32 v19, v31;
	s25 =	sxor.u32 $0x80000000, s28  }
0xab: {  	vm8 =	vmor vm10, vm8;
	vm10 =	veq.s32 v44, s25  }
0xac: {  	v23 =	vsel vm8, v19, v31;
	vm1 =	vmand vm1, vm10  }
0xad: {  	v52 =	vsel vm1, v23, v63  }
0xae: {  	(xrf0) =	vmax.scan.msk.f32 $0xffff, v52;
	_ =	sdelay $0x4  }
0xaf: {  	v4 =	vmax.f32 v8, v4;
	v5 =	vsel vm9, v5, v40  }
0xb0: {  	v53 =	vsel vm0, v13, v7;
	v54 =	vsel vm9, v14, v42;
	vm0 =	veq.f32 v5, v4;
	v55, _, _ =	vpop (xrf0)  }
0xb1: {  	vm9 =	vlt.s32 v54, v53;
	v56 =	vsel vm8, v21, v32;
	v57 =	vbroadcast v55, $0xF  }
0xb2: {  	vm0 =	vmand vm0, vm9;
	vm9 =	vgt.f32 v5, v4;
	v58 =	vsel vm1, v56, v44  }
0xb3: {  	vm9 =	vmor vm9, vm0;
	v59 =	vxor.u32 $0x80000000, v58;
	vm0 =	veq.f32 v52, v57  }
0xb4: {  	v4 =	vsel vm9, v5, v4;
	v5 =	vnsel vm0, $0xC0000000, v59  }
0xb5: {  	(xrf0) =	vmin.scan.msk.u32 $0xffff, v5;
	_ =	sdelay $0x2  }
0xb6: {  	v6 =	vsel vm9, v54, v53;
	v60 =	vsel vm5, v46, v48;
	v61 =	vsel vm5, v47, v22  }
0xb7: {  	vm5 =	veq.f32 v60, v4;
	vm9 =	vlt.s32 v61, v6  }
0xb8: {  	vm5 =	vmand vm5, vm9;
	vm9 =	vgt.f32 v60, v4  }
0xb9: {  	vm5 =	vmor vm9, vm5;
	v16, _, _ =	vpop (xrf0)  }
0xba: {  	v4 =	vsel vm5, v60, v4;
	(v2sf) =	vpush v16, $0xF  }
0xbb: {  	v62 =	vsel vm4, v24, v15;
	v63 =	vsel vm4, v25, v20;
	v5 =	vsel vm5, v61, v6  }
0xbc: {  	vm4 =	veq.f32 v62, v4;
	vm5 =	vlt.s32 v63, v5  }
0xbd: {  	vm4 =	vmand vm4, vm5;
	vm5 =	vgt.f32 v62, v4  }
0xbe: {  	v17 =	vsel vm2, v50, v17;
	vm4 =	vmor vm5, vm4  }
0xbf: {  	v20 =	vsel vm2, v51, v18;
	v4 =	vsel vm4, v62, v4;
	v5 =	vsel vm4, v63, v5  }
0xc0: {  	vm9 =	veq.f32 v17, v4;
	vm4 =	vlt.s32 v20, v5  }
0xc1: {  	vm2 =	vmand vm9, vm4;
	vm4 =	vgt.f32 v17, v4  }
0xc2: {  	v22 =	vsel vm3, v35, v30;
	vm2 =	vmor vm4, vm2  }
0xc3: {  	v24 =	vsel vm3, v36, v26;
	v4 =	vsel vm2, v17, v4;
	v5 =	vsel vm2, v20, v5  }
0xc4: {  	vm10 =	veq.f32 v22, v4;
	vm3 =	vlt.s32 v24, v5  }
0xc5: {  	vm4 =	vgt.f32 v22, v4;
	vm2 =	vmand vm10, vm3  }
0xc6: {  	v26 =	vsel vm8, v32, v21;
	vm2 =	vmor vm4, vm2  }
0xc7: {  	v25 =	vsel vm8, v31, v19;
	v4 =	vsel vm2, v22, v4;
	v5 =	vsel vm2, v24, v5  }
0xc8: {  	vm11 =	veq.f32 v25, v4;
	vm9 =	vlt.s32 v26, v5  }
0xc9: {  	vm4 =	vgt.f32 v25, v4;
	vm2 =	vmand vm11, vm9;
	s26 =	spop (v2sf)  }
0xca: {  	vm2 =	vmor vm4, vm2;
	s30 =	sxor.u32 $0x80000000, s26  }
0xcb: {  	v4 =	vsel vm2, v25, v4;
	vm10 =	veq.s32 v58, s30  }
0xcc: {  	v4 =	vsel vm1, v4, v23;
	vm0 =	vmand vm0, vm10  }
0xcd: {  	v4 =	vsel vm0, v4, v52  }
0xce: {  	(xrf0) =	vmax.scan.msk.f32 $0xffff, v4;
	_ =	sdelay $0x5  }
0xcf: {  	v5 =	vsel vm2, v26, v5;
	v27, _, _ =	vpop (xrf0)  }
0xd0: {  	v5 =	vsel vm1, v5, v56;
	v28 =	vbroadcast v27, $0xF  }
0xd1: {  	v5 =	vsel vm0, v5, v58  }
0xd2: {  	vm11 =	veq.f32 v4, v28;
	v4 =	vxor.u32 $0x80000000, v5  }
0xd3: {  	v4 =	vnsel vm11, $0xC0000000, v4  }
0xd4: {  	(xrf0) =	vmin.scan.msk.u32 $0xffff, v4;
	_ =	sdelay $0x5  }
0xd5: {  	v4, _, _ =	vpop (xrf0)  }
0xd6: {  	(v2sf) =	vpush v4, $0xF;
	_ =	sdelay $0xe  }
0xd7: {  	s1 =	spop (v2sf)  }
0xd8: {  	s20 =	sxor.u32 $0x80000030, s1  }
0xd9: {  	vm9 =	vcmask $0x2320;
	v4 =	vmov s20  }
0xda: {  	vm10 =	vcmask $0x3F20;
	s21 =	sxor.u32 $0x80000020, s1;
	v5 =	vnsel vm9, $0x0, v4  }
0xdb: {  	vm11 =	vcmask $0x3F1C;
	s22 =	sxor.u32 $0x80000010, s1;
	v5 =	vnsel vm10, s21, v5  }
0xdc: {  	s23 =	sxor.u32 $0x80000030, s26;
	vm9 =	vcmask $0x3F18;
	v5 =	vnsel vm11, s22, v5  }
0xdd: {  	s24 =	sxor.u32 $0x80000020, s26;
	vm10 =	vcmask $0x3F14;
	v5 =	vnsel vm9, s23, v5  }
0xde: {  	s26 =	sxor.u32 $0x80000010, s26;
	vm11 =	vcmask $0x3F10;
	v5 =	vnsel vm10, s24, v5  }
0xdf: {  	s29 =	sxor.u32 $0x80000030, s28;
	v5 =	vnsel vm11, s26, v5  }
0xe0: {  	s31 =	sxor.u32 $0x80000020, s28;
	v5 =	vnsel vm6, s29, v5  }
0xe1: {  	s28 =	sxor.u32 $0x80000010, s28;
	vm9 =	veq.s32 v0, $0x0;
	v5 =	vnsel vm7, s31, v5  }
0xe2: {  	v5 =	vsel vm9, s28, v5  }
0xe3: {  	v5 =	vadd.s32 s19, v5;
	_ =	sdelay $0x4  }
0xe4: {  	v6 =	vld.idx.msk [tilespmem:v5+s2+$0x0], $0xffff;
	_ =	sdelay $0x3  }
0xe5: {  	vm0 =	vmmov $0x1  }
0xe6: {  	v5 =	vnsel vm0, $0xFF800000, v6  }
0xe7: {  	(xrf0) =	vmax.scan.msk.f32 $0xffff, v5;
	_ =	sdelay $0x3  }
0xe8: {  	vm10 =	vcmask $0x308  }
0xe9: {  	v31 =	vsel vm10, $0xFF800000, v6  }
0xea: {  	v5, _, _ =	vpop (xrf0);
	(xrf0) =	vmax.scan.msk.f32 $0xffff, v31  }
0xeb: {  	v36 =	vadd.f32 $0.0e+00, v43;
	v30 =	vmov s25;
	v29 =	vadd.f32 $0.0e+00, v5  }
0xec: {  	v34 =	vmov s28;
	v35 =	vmov s29;
	v37 =	vmov s31  }
0xed: {  	v38 =	vadd.f32 $0.0e+00, v57;
	v8 =	vmov s23;
	v12 =	vbroadcast v29, $0xF  }
0xee: {  	v32 =	vmov s24;
	v33 =	vmov s26;
	v39 =	vadd.f32 $0.0e+00, v28  }
0xef: {  	v7 =	vmov s22;
	vm9 =	vlt.s32 v34, s25;
	vm11 =	veq.f32 v12, v43  }
0xf0: {  	v5 =	vmov s21;
	vm10 =	vgt.f32 v12, v43;
	vm1 =	vmand vm9, vm11;
	v41, _, _ =	vpop (xrf0)  }
0xf1: {  	vm1 =	vmor vm10, vm1;
	v42 =	vadd.f32 $0.0e+00, v41;
	vm10 =	vcmask $0x70C  }
0xf2: {  	v41 =	vsel vm14, $0xFF800000, v6;
	v40 =	vsel vm1, v36, v12;
	v16 =	vsel vm1, s25, v34  }
0xf3: {  	v12 =	vsel vm1, v12, v36;
	vm11 =	veq.f32 v40, v57;
	vm9 =	vlt.s32 v16, s30  }
0xf4: {  	vm4 =	vgt.f32 v40, v57;
	v9 =	vbroadcast v42, $0xF;
	vm2 =	vmand vm11, vm9  }
0xf5: {  	v13 =	vsel vm1, s28, v30;
	v43 =	vsel vm10, $0xFF800000, v6;
	vm1 =	vmor vm4, vm2  }
0xf6: {  	vm10 =	veq.f32 v9, v12;
	vm4 =	vlt.s32 v37, v13;
	v44 =	vsel vm1, v38, v40  }
0xf7: {  	s1 =	sxor.u32 $0x80000000, s1;
	(xrf0) =	vmax.scan.msk.f32 $0xffff, v43;
	v45 =	vsel vm1, s30, v16;
	v46 =	vsel vm1, v40, v38;
	vm3 =	vmand vm10, vm4  }
0xf8: {  	vm4 =	vgt.f32 v9, v12;
	vm11 =	veq.f32 v44, v28;
	vm9 =	vlt.s32 v45, s1  }
0xf9: {  	v47 =	vnsel vm1, s30, v16;
	vm5 =	vgt.f32 v44, v28;
	vm2 =	vmand vm11, vm9  }
0xfa: {  	v28 =	vsel vm12, $0xFF800000, v6;
	vm9 =	vmor vm4, vm3;
	vm11 =	vmor vm5, vm2  }
0xfb: {  	v49 =	vsel vm9, v12, v9;
	v50 =	vnsel vm9, s31, v13;
	v9 =	vsel vm9, v9, v12  }
0xfc: {  	v53 =	vsel vm9, s31, v13;
	vm9 =	vcmask $0xB10;
	v48 =	vsel vm11, v44, v39  }
0xfd: {  	v52, _, _ =	vpop (xrf0);
	v51 =	vnsel vm11, s1, v45;
	vm10 =	veq.f32 v49, v46;
	vm11 =	vlt.s32 v50, v47  }
0xfe: {  	vm4 =	vgt.f32 v49, v46;
	v21 =	vadd.f32 $0.0e+00, v52;
	vm1 =	vmand vm10, vm11  }
0xff: {  	v55 =	vsel vm9, $0xFF800000, v6;
	vm11 =	vlt.s32 v35, v53;
	vm1 =	vmor vm4, vm1  }
0x100: {  	v21 =	vbroadcast v21, $0xF;
	v54 =	vsel vm1, v46, v49;
	v56 =	vsel vm1, v47, v50  }
0x101: {  	v16 =	vsel vm1, v49, v46;
	v10 =	vsel vm1, v50, v47;
	vm1 =	veq.f32 v54, v48  }
0x102: {  	(xrf0) =	vmax.scan.msk.f32 $0xffff, v55;
	vm10 =	veq.f32 v21, v9;
	vm4 =	vlt.s32 v56, v51;
	vm5 =	vgt.f32 v21, v9  }
0x103: {  	vm9 =	vgt.f32 v54, v48;
	vm2 =	vmand vm10, vm11;
	vm1 =	vmand vm1, vm4  }
0x104: {  	v35 =	vsel vm13, $0xFF800000, v6;
	vm2 =	vmor vm5, vm2;
	vm1 =	vmor vm9, vm1  }
0x105: {  	vm9 =	vcmask $0xF14;
	v57 =	vsel vm2, v9, v21;
	v58 =	vnsel vm2, s29, v53  }
0x106: {  	v11 =	vsel vm1, v54, v48;
	v59 =	vsel vm1, v56, v51;
	v9 =	vsel vm2, v21, v9  }
0x107: {  	v62 =	vsel vm9, $0xFF800000, v6;
	vm10 =	veq.f32 v57, v16;
	vm4 =	vlt.s32 v58, v10  }
0x108: {  	v60, _, _ =	vpop (xrf0);
	v12 =	vsel vm2, s29, v53;
	vm11 =	vgt.f32 v57, v16;
	(xrf0) =	vmax.scan.msk.f32 $0xffff, v62;
	vm3 =	vmand vm10, vm4  }
0x109: {  	v6 =	vsel vm15, $0xFF800000, v6;
	v19 =	vadd.f32 $0.0e+00, v60;
	vm1 =	vmor vm11, vm3  }
0x10a: {  	vm5 =	vlt.s32 v33, v12;
	v61 =	vsel vm1, v16, v57;
	v63 =	vsel vm1, v10, v58  }
0x10b: {  	v24 =	vbroadcast v19, $0xF;
	vm11 =	veq.f32 v61, v11;
	vm4 =	vlt.s32 v63, v59  }
0x10c: {  	v16 =	vsel vm1, v57, v16;
	vm10 =	vgt.f32 v61, v11;
	vm3 =	vmand vm11, vm4  }
0x10d: {  	v10 =	vsel vm1, v58, v10;
	vm4 =	veq.f32 v24, v9;
	vm2 =	vmor vm10, vm3  }
0x10e: {  	vm9 =	vgt.f32 v24, v9;
	vm4 =	vmand vm4, vm5;
	v27, _, _ =	vpop (xrf0);
	v11 =	vsel vm2, v61, v11  }
0x10f: {  	vm10 =	vmor vm9, vm4;
	v13 =	vsel vm2, v63, v59;
	v17 =	vadd.f32 $0.0e+00, v27  }
0x110: {  	(xrf0) =	vmax.scan.msk.f32 $0xffff, v28;
	v25 =	vsel vm10, v9, v24;
	v26 =	vnsel vm10, s26, v12;
	v9 =	vsel vm10, v24, v9  }
0x111: {  	vm11 =	veq.f32 v25, v16;
	vm9 =	vlt.s32 v26, v10;
	v17 =	vbroadcast v17, $0xF  }
0x112: {  	v12 =	vsel vm10, s26, v12;
	vm4 =	vgt.f32 v25, v16;
	vm2 =	vmand vm11, vm9  }
0x113: {  	vm1 =	vmor vm4, vm2;
	vm9 =	veq.f32 v17, v9;
	vm4 =	vlt.s32 v32, v12  }
0x114: {  	v29 =	vsel vm1, v16, v25;
	v30 =	vsel vm1, v10, v26;
	v15 =	vsel vm1, v25, v16  }
0x115: {  	vm3 =	vmand vm9, vm4;
	vm4 =	vgt.f32 v17, v9;
	v10 =	vsel vm1, v26, v10  }
0x116: {  	v33, _, _ =	vpop (xrf0);
	vm10 =	veq.f32 v29, v11;
	vm11 =	vlt.s32 v30, v13;
	vm5 =	vgt.f32 v29, v11  }
0x117: {  	v18 =	vadd.f32 $0.0e+00, v33;
	vm2 =	vmand vm10, vm11;
	vm11 =	vmor vm4, vm3  }
0x118: {  	(xrf0) =	vmax.scan.msk.f32 $0xffff, v35;
	vm10 =	vmor vm5, vm2;
	v31 =	vsel vm11, v9, v17;
	v32 =	vnsel vm11, s24, v12  }
0x119: {  	v9 =	vsel vm11, v17, v9;
	v18 =	vbroadcast v18, $0xF;
	v11 =	vsel vm10, v29, v11  }
0x11a: {  	v13 =	vsel vm10, v30, v13;
	vm9 =	veq.f32 v31, v15;
	vm10 =	vlt.s32 v32, v10  }
0x11b: {  	v12 =	vsel vm11, s24, v12;
	vm4 =	vgt.f32 v31, v15;
	vm1 =	vmand vm9, vm10  }
0x11c: {  	vm11 =	veq.f32 v18, v9;
	vm9 =	vlt.s32 v8, v12;
	vm1 =	vmor vm4, vm1  }
0x11d: {  	vm5 =	vgt.f32 v18, v9;
	vm2 =	vmand vm11, vm9;
	v34 =	vsel vm1, v15, v31  }
0x11e: {  	v39, _, _ =	vpop (xrf0);
	v36 =	vsel vm1, v10, v32;
	v14 =	vsel vm1, v31, v15;
	v10 =	vsel vm1, v32, v10  }
0x11f: {  	vm2 =	vmor vm5, vm2;
	v16 =	vadd.f32 $0.0e+00, v39;
	vm1 =	veq.f32 v34, v11  }
0x120: {  	vm4 =	vlt.s32 v36, v13;
	vm10 =	vgt.f32 v34, v11;
	v37 =	vsel vm2, v9, v18  }
0x121: {  	(xrf0) =	vmax.scan.msk.f32 $0xffff, v41;
	v38 =	vnsel vm2, s23, v12;
	v9 =	vsel vm2, v18, v9;
	v12 =	vsel vm2, s23, v12  }
0x122: {  	vm1 =	vmand vm1, vm4;
	vm11 =	veq.f32 v37, v14;
	vm4 =	vlt.s32 v38, v10  }
0x123: {  	vm9 =	vgt.f32 v37, v14;
	v43 =	vbroadcast v16, $0xF;
	vm1 =	vmor vm10, vm1  }
0x124: {  	vm5 =	vlt.s32 v7, v12;
	vm3 =	vmand vm11, vm4;
	v11 =	vsel vm1, v34, v11  }
0x125: {  	v13 =	vsel vm1, v36, v13;
	vm1 =	vmor vm9, vm3;
	vm9 =	vgt.f32 v43, v9  }
0x126: {  	v40 =	vsel vm1, v14, v37;
	v42 =	vsel vm1, v10, v38;
	v8 =	vsel vm1, v37, v14  }
0x127: {  	v49, _, _ =	vpop (xrf0);
	(xrf0) =	vmax.scan.msk.f32 $0xffff, v6;
	vm10 =	vgt.f32 v40, v11;
	vm11 =	veq.f32 v40, v11;
	vm4 =	vlt.s32 v42, v13  }
0x128: {  	v16 =	vadd.f32 $0.0e+00, v49;
	vm3 =	vmand vm11, vm4;
	vm4 =	veq.f32 v43, v9  }
0x129: {  	v44 =	vsel vm1, v38, v10;
	vm2 =	vmor vm10, vm3;
	vm4 =	vmand vm4, vm5  }
0x12a: {  	v16 =	vbroadcast v16, $0xF;
	v45 =	vsel vm2, v40, v11;
	vm10 =	vmor vm9, vm4  }
0x12b: {  	v46 =	vsel vm2, v42, v13;
	v47 =	vsel vm10, v9, v43;
	v48 =	vnsel vm10, s22, v12  }
0x12c: {  	v9 =	vsel vm10, v43, v9;
	vm9 =	veq.f32 v47, v8;
	vm4 =	vlt.s32 v48, v44  }
0x12d: {  	v12 =	vsel vm10, s22, v12;
	vm11 =	vgt.f32 v47, v8;
	v54, _, _ =	vpop (xrf0);
	vm3 =	vmand vm9, vm4  }
0x12e: {  	vm9 =	veq.f32 v16, v9;
	vm4 =	vlt.s32 v5, v12;
	v13 =	vadd.f32 $0.0e+00, v54  }
0x12f: {  	vm1 =	vmor vm11, vm3;
	vm3 =	vmand vm9, vm4;
	vm4 =	vgt.f32 v16, v9  }
0x130: {  	v50 =	vsel vm1, v8, v47;
	v51 =	vsel vm1, v44, v48;
	v8 =	vsel vm1, v47, v8  }
0x131: {  	v5 =	vsel vm1, v48, v44;
	vm10 =	veq.f32 v50, v45;
	vm11 =	vlt.s32 v51, v46  }
0x132: {  	vm5 =	vgt.f32 v50, v45;
	vm2 =	vmand vm10, vm11;
	vm11 =	vmor vm4, vm3  }
0x133: {  	v13 =	vbroadcast v13, $0xF;
	vm10 =	vmor vm5, vm2;
	v52 =	vsel vm11, v9, v16  }
0x134: {  	v53 =	vnsel vm11, s21, v12;
	v9 =	vsel vm11, v16, v9;
	v12 =	vsel vm11, s21, v12  }
0x135: {  	v6 =	vsel vm10, v50, v45;
	vm9 =	veq.f32 v52, v8;
	vm4 =	vlt.s32 v53, v5  }
0x136: {  	v11 =	vsel vm10, v51, v46;
	vm10 =	vgt.f32 v52, v8;
	vm3 =	vmand vm9, vm4  }
0x137: {  	vm11 =	veq.f32 v13, v9;
	vm9 =	vlt.s32 v4, v12;
	vm1 =	vmor vm10, vm3  }
0x138: {  	vm10 =	vgt.f32 v13, v9;
	vm2 =	vmand vm11, vm9;
	v55 =	vsel vm1, v8, v52  }
0x139: {  	v15 =	vsel vm1, v5, v53;
	v7 =	vsel vm1, v52, v8;
	v4 =	vsel vm1, v53, v5  }
0x13a: {  	vm1 =	vmor vm10, vm2;
	vm11 =	vgt.f32 v55, v6;
	vm4 =	veq.f32 v55, v6  }
0x13b: {  	vm9 =	vlt.s32 v15, v11;
	v5 =	vsel vm1, v9, v13;
	v56 =	vnsel vm1, s20, v12  }
0x13c: {  	vm2 =	vmand vm4, vm9;
	vm4 =	veq.f32 v5, v7;
	vm5 =	vlt.s32 v56, v4  }
0x13d: {  	vm2 =	vmor vm11, vm2;
	vm10 =	vmand vm4, vm5;
	vm4 =	vgt.f32 v5, v7  }
0x13e: {  	v6 =	vsel vm2, v55, v6;
	vm3 =	vmor vm4, vm10  }
0x13f: {  	v57 =	vsel vm2, v15, v11;
	v58 =	vsel vm3, v7, v5;
	v59 =	vsel vm3, v4, v56  }
0x140: {  	vm11 =	veq.f32 v58, v6;
	vm4 =	vlt.s32 v59, v57  }
0x141: {  	vm2 =	vmand vm11, vm4;
	vm4 =	vgt.f32 v58, v6  }
0x142: {  	vm2 =	vmor vm4, vm2  }
0x143: {  	v61 =	vsel vm1, v13, v9;
	v6 =	vsel vm2, v58, v6  }
0x144: {  	s30 =	sor.u32 s3, s18;
	v5 =	vsel vm3, v5, v7;
	v60 =	vsel vm2, v59, v57;
	v6 =	vsel vm6, $0x0, v6  }
0x145: {  	s1 =	sshll.u32 s30, $0x4;
	v4 =	vsel vm3, v56, v4;
	v62 =	vsel vm6, $0x0, v60;
	v5 =	vsel vm7, v6, v5  }
0x146: {  	s1 =	sand.u32 $0x70, s1;
	v63 =	vsel vm1, s20, v12;
	v4 =	vsel vm7, v62, v4;
	v5 =	vsel vm0, v61, v5  }
0x147: {  	s1 =	sor.u32 s7, s1;
	v4 =	vsel vm0, v63, v4;
	[tilespmem:$0x4000] =	vst v5  }
0x148: {  	s31 =	sadd.s32 s4, s1;
	[tilespmem:$0x4080] =	vst v4  }
0x149: {  	[hbm4b:s31+s2] =	stream.linear.scatter [tilespmem:s14], [sflag:$0x2], $0x80, $0x38;
	[tilespmem:$0x4100] =	vst v63  }
0x14a: {  	_ =	swait.ge [sflag:s15], $0x80  }
0x14b: {  	[sflag:s15] =	ssyncset.done $0x0  }
.Ltmp1:
0x14c: {  	s1 =	sadd.s32 s1, s8;
	[sflag:s15] =	ssyncadd.s32 $0xFFFFFF80;
	(pc) =	sbr.rel @p0 .LBB2_2-.Ltmp1, $4  }
0x14d: {  	[hbm4b:s1+s2] =	stream.linear.scatter [tilespmem:s16], [sflag:$0x2], $0x80, $0x38;
	[tilespmem:$0x4100] =	vst v63  }
0x14e: {  	_ =	swait.ge [sflag:s15], $0x80  }
0x14f: {  	[sflag:s15] =	ssyncset.done $0x0  }
0x150: {  	p1 =	por $0x0, $0x0;
	s18 =	simm.s32 $0x1;
	[sflag:s15] =	ssyncadd.s32 $0xFFFFFF80  }
0x151: {  	s17 =	sadd.s32 $0x1, s17  }
0x152: {  	p0 =	sne.s32 s17, s9  }
.Ltmp2:
0x153: {  	_ = 	snop;
	(pc) =	sbr.rel @p0 .LBB2_1-.Ltmp2, $1  }
0x154: {  	_ =	sdelay $0x3  }
0x155: {  	_ =	sfence.sel $0x180000  }
0x156: {  	[bflag:$0x0] =	sbarrier.arrive $0xFFFF  }
0x157: {  	_ =	strace $0x90000047  }
0x158: {  	[bflag:$0x2] =	sbarrier.arrive $0xFFFF  }
0x159: {  	p0 =	sne.s32 s0, $0x0;
	s0 =	rddreg [dreg:$0x2]  }
0x15a: {  	s0 =	sadd.s32 @!p0 $0x100000, s0  }
0x15b: {  	[sflag:s0] =	ssyncadd.tile.s32 @!p0 $0x1;
	_ =	shalt  }
.Lfunc_end2:
_tile_overlayer_lowered:
.L_overlay_start_2:
0x15c: {  	(tag) =	ssettag $0x2  }
0x15d: {  	s0 =	rddreg [dreg:$0x0];
	s2 =	stileid.u32  }
0x15e: {  	s1 =	rddreg [dreg:$0x1];
	p0 =	sne.s32 s2, $0x0  }
0x15f: {  	s3 =	rddreg [dreg:$0x2];
	[bflag:$0x3] =	sbarrier.arrive $0xFFFF;
	s2 =	simm.s32 @!p0 $0x1C02  }
0x160: {  	[timem:s3], [sflag:s2] =	dma.local @!p0 [hbm:s0], s1  }
0x161: {  	s0 =	simm.s32 @!p0 $0x2  }
0x162: {  	_ =	swait.ge @!p0 [sflag:s0], s1  }
0x163: {  	s1 =	ssub.s32 @!p0 $0x0, s1;
	[sflag:s0] =	ssyncset.done @!p0 $0x0  }
0x164: {  	[sflag:s0] =	ssyncadd.s32 @!p0 s1  }
0x165: {  	[bflag:$0x3] =	sbarrier.arrive $0xFFFF  }
0x166: {  	_ =	shalt  }

</sc_bundles>
